<compile_context>
chip_gen: v7x
topology: tpu7x:2x2x1
jax: 0.10.2.dev20260603
libtpu: 0.0.44.dev20260713+nightly
codegen_flags: <defaults>
</compile_context>

<pallas_src>
import functools

import jax
import jax.numpy as jnp
from jax import lax
from jax.experimental import pallas as pl
from jax.experimental.pallas import tpu as pltpu
from jax.experimental.pallas import tpu_sc as plsc

ROWS = 128
COLS = 32768
L = 16
NC = 2
NS = 16
NW = NC * NS
ROWS_PER_W = ROWS // NW
STEPS = COLS // L


def kernel(var):
    mesh = plsc.VectorSubcoreMesh(core_axis_name="c", subcore_axis_name="s")

    @functools.partial(
        pl.kernel,
        out_type=(
            jax.ShapeDtypeStruct((ROWS * 2,), jnp.float32),
            jax.ShapeDtypeStruct((ROWS * 2,), jnp.int32),
        ),
        mesh=mesh,
        scratch_types=[
            pltpu.VMEM((COLS,), jnp.float32),
            pltpu.VMEM((COLS,), jnp.float32),
            pltpu.VMEM((L,), jnp.float32),
            pltpu.VMEM((L,), jnp.int32),
            pltpu.SemaphoreType.DMA,
            pltpu.SemaphoreType.DMA,
        ],
        compiler_params=pltpu.CompilerParams(needs_layout_passes=False),
    )
    def top2_kernel(var_hbm, vals_hbm, idxs_hbm,
                    buf0, buf1, vals_v, idxs_v, sem0, sem1):
        wid = lax.axis_index("s") * NC + lax.axis_index("c")
        row0 = wid * ROWS_PER_W
        bufs = [buf0, buf1]
        sems = [sem0, sem1]
        iota = lax.iota(jnp.int32, L)
        neg = jnp.float32(-jnp.inf)
        big = jnp.int32(2**31 - 1)

        vals_vec = jnp.zeros((L,), jnp.float32)
        idxs_vec = jnp.zeros((L,), jnp.int32)

        copies = [None, None]
        copies[0] = pltpu.async_copy(var_hbm.at[row0], bufs[0], sems[0])
        for r in range(ROWS_PER_W):
            b = r % 2
            if r + 1 < ROWS_PER_W:
                nb = (r + 1) % 2
                copies[nb] = pltpu.async_copy(
                    var_hbm.at[row0 + r + 1], bufs[nb], sems[nb])
            copies[b].wait()
            buf = bufs[b]

            def body(j, carry):
                m1, i1, m2, i2 = carry
                v = buf[pl.ds(j * L, L)]
                idx = j * L + iota
                c1 = v > m1
                c2 = v > m2
                nm2 = jnp.where(c1, m1, jnp.where(c2, v, m2))
                ni2 = jnp.where(c1, i1, jnp.where(c2, idx, i2))
                nm1 = jnp.where(c1, v, m1)
                ni1 = jnp.where(c1, idx, i1)
                return (nm1, ni1, nm2, ni2)

            init = (jnp.full((L,), neg, jnp.float32),
                    jnp.zeros((L,), jnp.int32),
                    jnp.full((L,), neg, jnp.float32),
                    jnp.zeros((L,), jnp.int32))
            m1, i1, m2, i2 = lax.fori_loop(0, STEPS, body, init)

            mx1 = jnp.max(m1)
            winm = m1 == mx1
            ix1 = jnp.min(jnp.where(winm, i1, big))
            is_win = winm & (i1 == ix1)
            cand_v = jnp.where(is_win, m2, m1)
            cand_i = jnp.where(is_win, i2, i1)
            mx2 = jnp.max(cand_v)
            ix2 = jnp.min(jnp.where(cand_v == mx2, cand_i, big))

            vals_vec = jnp.where(iota == 2 * r, mx1, vals_vec)
            vals_vec = jnp.where(iota == 2 * r + 1, mx2, vals_vec)
            idxs_vec = jnp.where(iota == 2 * r, ix1, idxs_vec)
            idxs_vec = jnp.where(iota == 2 * r + 1, ix2, idxs_vec)

        vals_v[...] = vals_vec
        idxs_v[...] = idxs_vec
        pltpu.sync_copy(vals_v.at[pl.ds(0, 2 * ROWS_PER_W)],
                        vals_hbm.at[pl.ds(row0 * 2, 2 * ROWS_PER_W)])
        pltpu.sync_copy(idxs_v.at[pl.ds(0, 2 * ROWS_PER_W)],
                        idxs_hbm.at[pl.ds(row0 * 2, 2 * ROWS_PER_W)])

    vals, idxs = top2_kernel(var)
    return vals.reshape(ROWS, 2), idxs.reshape(ROWS, 2)

# --- scband reference (transcript-rebuilt; emitter-appended) ---
"""Pipeline reference for scband-model-23141283791466 (READ-ONLY COPY).

The authoritative reference and input builder live on the scoring server;
editing this copy changes nothing except your own understanding.
"""

import jax, jax.numpy as jnp
import numpy as np

def setup_inputs(seed: int = 0) -> dict:
    key = jax.random.key(seed)
    var = jax.random.normal(key, (128, 32768), dtype=jnp.float32)
    return {"var": var}

def reference(var):
    # torch.topk(var, k=2, dim=1) -> values, indices
    # dim=1 is the last axis for a 2D input, so lax.top_k applies directly.
    topk_values, topk_indices = jax.lax.top_k(var, 2)
    return (topk_values, topk_indices)

if __name__ == "__main__":
    import jax
    _d = setup_inputs()
    print(jax.jit(kernel)(*tuple(_d.values())))

</pallas_src>

<mosaic_0001>
#map = affine_map<(d0, d1) -> (0, 0)>
#map1 = affine_map<(d0, d1) -> (0)>
module attributes {stable_mosaic.version = 14 : i64} {
  func.func @top2_kernel(%arg0: i32, %arg1: i32, %arg2: memref<128x32768xf32, #tpu.memory_space<hbm>>, %arg3: memref<256xf32, #tpu.memory_space<hbm>>, %arg4: memref<256xi32, #tpu.memory_space<hbm>>, %arg5: memref<32768xf32, #tpu.memory_space<vmem>>, %arg6: memref<32768xf32, #tpu.memory_space<vmem>>, %arg7: memref<16xf32, #tpu.memory_space<vmem>>, %arg8: memref<16xi32, #tpu.memory_space<vmem>>, %arg9: memref<!tpu.dma_semaphore, #tpu.memory_space<semaphore_mem>>, %arg10: memref<!tpu.dma_semaphore, #tpu.memory_space<semaphore_mem>>) attributes {dimension_semantics = [#tpu.dimension_semantics<core_parallel>, #tpu.dimension_semantics<subcore_parallel>], iteration_bounds = array<i64: 2, 16>, scalar_prefetch = 0 : i64, scratch_operands = 6 : i64, tpu.core_type = #tpu.core_type<sc_vector_subcore>, window_params = [{transform_indices = #map}, {transform_indices = #map1}, {transform_indices = #map1}]} {
    %mul3A = arith.constant 2 : i32
    %mul3A_0 = arith.muli %arg1, %mul3A : i32
    %add3A = arith.addi %mul3A_0, %arg0 : i32
    %mul3A_1 = arith.constant 4 : i32
    %mul3A_2 = arith.muli %add3A, %mul3A_1 : i32
    %iota3A = tpu.iota {dimensions = array<i32: 0>} : vector<16xi32>
    %broadcast_in_dim3A = arith.constant 0.000000e+00 : f32
    %broadcast_in_dim3A_3 = vector.broadcast %broadcast_in_dim3A : f32 to vector<16xf32>
    %broadcast_in_dim3A_4 = arith.constant 0 : i32
    %broadcast_in_dim3A_5 = vector.broadcast %broadcast_in_dim3A_4 : i32 to vector<16xi32>
    %dma_start3A = arith.constant 0 : i32
    %dma_start3A_6 = tpu.memref_slice %arg2[%mul3A_2, %dma_start3A] : memref<128x32768xf32, #tpu.memory_space<hbm>> -> memref<1x32768xf32, #tpu.memory_space<hbm>>
    %dma_start3A_7 = tpu.memref_squeeze %dma_start3A_6 : memref<1x32768xf32, #tpu.memory_space<hbm>> -> memref<32768xf32, #tpu.memory_space<hbm>>
    %dma_start3A_8 = arith.constant 0 : i32
    %dma_start3A_9 = tpu.memref_slice %arg2[%mul3A_2, %dma_start3A_8] : memref<128x32768xf32, #tpu.memory_space<hbm>> -> memref<1x32768xf32, #tpu.memory_space<hbm>>
    %dma_start3A_10 = tpu.memref_squeeze %dma_start3A_9 : memref<1x32768xf32, #tpu.memory_space<hbm>> -> memref<32768xf32, #tpu.memory_space<hbm>>
    tpu.enqueue_dma source(%dma_start3A_10 : memref<32768xf32, #tpu.memory_space<hbm>>) target(%arg5 : memref<32768xf32, #tpu.memory_space<vmem>>) target_semaphore(%arg9 : memref<!tpu.dma_semaphore, #tpu.memory_space<semaphore_mem>>)
    %add3A_11 = arith.constant 0 : i32
    %add3A_12 = arith.addi %mul3A_2, %add3A_11 : i32
    %add3A_13 = arith.constant 1 : i32
    %add3A_14 = arith.addi %add3A_12, %add3A_13 : i32
    %dma_start3A_15 = arith.constant 0 : i32
    %dma_start3A_16 = tpu.memref_slice %arg2[%add3A_14, %dma_start3A_15] : memref<128x32768xf32, #tpu.memory_space<hbm>> -> memref<1x32768xf32, #tpu.memory_space<hbm>>
    %dma_start3A_17 = tpu.memref_squeeze %dma_start3A_16 : memref<1x32768xf32, #tpu.memory_space<hbm>> -> memref<32768xf32, #tpu.memory_space<hbm>>
    %dma_start3A_18 = arith.constant 0 : i32
    %dma_start3A_19 = tpu.memref_slice %arg2[%add3A_14, %dma_start3A_18] : memref<128x32768xf32, #tpu.memory_space<hbm>> -> memref<1x32768xf32, #tpu.memory_space<hbm>>
    %dma_start3A_20 = tpu.memref_squeeze %dma_start3A_19 : memref<1x32768xf32, #tpu.memory_space<hbm>> -> memref<32768xf32, #tpu.memory_space<hbm>>
    tpu.enqueue_dma source(%dma_start3A_20 : memref<32768xf32, #tpu.memory_space<hbm>>) target(%arg6 : memref<32768xf32, #tpu.memory_space<vmem>>) target_semaphore(%arg10 : memref<!tpu.dma_semaphore, #tpu.memory_space<semaphore_mem>>)
    %dma_wait3A = arith.constant 0 : i32
    %dma_wait3A_21 = tpu.memref_slice %arg2[%mul3A_2, %dma_wait3A] : memref<128x32768xf32, #tpu.memory_space<hbm>> -> memref<1x32768xf32, #tpu.memory_space<hbm>>
    %dma_wait3A_22 = tpu.memref_squeeze %dma_wait3A_21 : memref<1x32768xf32, #tpu.memory_space<hbm>> -> memref<32768xf32, #tpu.memory_space<hbm>>
    %dma_wait3A_23 = arith.constant 0 : i32
    %dma_wait3A_24 = tpu.memref_slice %arg2[%mul3A_2, %dma_wait3A_23] : memref<128x32768xf32, #tpu.memory_space<hbm>> -> memref<1x32768xf32, #tpu.memory_space<hbm>>
    %dma_wait3A_25 = tpu.memref_squeeze %dma_wait3A_24 : memref<1x32768xf32, #tpu.memory_space<hbm>> -> memref<32768xf32, #tpu.memory_space<hbm>>
    tpu.wait_dma2 semaphore(%arg9 : memref<!tpu.dma_semaphore, #tpu.memory_space<semaphore_mem>>) src(%dma_wait3A_25 : memref<32768xf32, #tpu.memory_space<hbm>>) dst(%arg5 : memref<32768xf32, #tpu.memory_space<vmem>>)
    %broadcast_in_dim3A_26 = arith.constant 0xFF800000 : f32
    %broadcast_in_dim3A_27 = vector.broadcast %broadcast_in_dim3A_26 : f32 to vector<16xf32>
    %broadcast_in_dim3A_28 = arith.constant 0 : i32
    %broadcast_in_dim3A_29 = vector.broadcast %broadcast_in_dim3A_28 : i32 to vector<16xi32>
    %broadcast_in_dim3A_30 = arith.constant 0xFF800000 : f32
    %broadcast_in_dim3A_31 = vector.broadcast %broadcast_in_dim3A_30 : f32 to vector<16xf32>
    %broadcast_in_dim3A_32 = arith.constant 0 : i32
    %broadcast_in_dim3A_33 = vector.broadcast %broadcast_in_dim3A_32 : i32 to vector<16xi32>
    %scan3A = arith.constant 0 : i32
    %scan3A_34 = arith.constant 2048 : i32
    %scan3A_35 = arith.addi %scan3A, %scan3A_34 : i32
    %scan3A_36 = arith.constant 1 : i32
    %scan3A_37:4 = scf.for %scan3A_356 = %scan3A to %scan3A_35 step %scan3A_36 iter_args(%scan3A_357 = %broadcast_in_dim3A_27, %scan3A_358 = %broadcast_in_dim3A_29, %scan3A_359 = %broadcast_in_dim3A_31, %scan3A_360 = %broadcast_in_dim3A_33) -> (vector<16xf32>, vector<16xi32>, vector<16xf32>, vector<16xi32>)  : i32 {
      %mul3A_361 = arith.constant 16 : i32
      %mul3A_362 = arith.muli %scan3A_356, %mul3A_361 : i32
      %get3A = arith.index_cast %mul3A_362 : i32 to index
      %get3A_363 = tpu.vector_load %arg5[%get3A] {strides = array<i32>} : memref<32768xf32, #tpu.memory_space<vmem>>, vector<16xf32>,
      %mul3A_364 = arith.constant 16 : i32
      %mul3A_365 = arith.muli %scan3A_356, %mul3A_364 : i32
      %add3A_366 = vector.broadcast %mul3A_365 : i32 to vector<16xi32>
      %add3A_367 = arith.addi %add3A_366, %iota3A : vector<16xi32>
      %gt3A = arith.cmpf ogt, %get3A_363, %scan3A_357 : vector<16xf32>
      %gt3A_368 = arith.cmpf ogt, %get3A_363, %scan3A_359 : vector<16xf32>
      %select_n3A_369 = arith.select %gt3A_368, %get3A_363, %scan3A_359 : vector<16xi1>, vector<16xf32>
      %select_n3A_370 = arith.select %gt3A, %scan3A_357, %select_n3A_369 : vector<16xi1>, vector<16xf32>
      %select_n3A_371 = arith.select %gt3A_368, %add3A_367, %scan3A_360 : vector<16xi1>, vector<16xi32>
      %select_n3A_372 = arith.select %gt3A, %scan3A_358, %select_n3A_371 : vector<16xi1>, vector<16xi32>
      %select_n3A_373 = arith.select %gt3A, %get3A_363, %scan3A_357 : vector<16xi1>, vector<16xf32>
      %select_n3A_374 = arith.select %gt3A, %add3A_367, %scan3A_358 : vector<16xi1>, vector<16xi32>
      scf.yield %select_n3A_373, %select_n3A_374, %select_n3A_370, %select_n3A_372 : vector<16xf32>, vector<16xi32>, vector<16xf32>, vector<16xi32>
    }
    %scan3A_38 = arith.constant 2048 : i32
    %reduce_max3A = arith.constant true
    %reduce_max3A_39 = vector.broadcast %reduce_max3A : i1 to vector<16xi1>
    %reduce_max3A_40 = tpu.scan <max>, %scan3A_37#0 masked %reduce_max3A_39 : vector<16xf32>, vector<16xi1> -> vector<16xf32>
    %reduce_max3A_41 = vector.extract %reduce_max3A_40[15] : f32 from vector<16xf32>
    %eq3A = vector.broadcast %reduce_max3A_41 : f32 to vector<16xf32>
    %eq3A_42 = arith.cmpf oeq, %scan3A_37#0, %eq3A : vector<16xf32>
    %jit3A = arith.constant 2147483647 : i32
    %broadcast_in_dim3A_43 = vector.broadcast %jit3A : i32 to vector<16xi32>
    %select_n3A = arith.select %eq3A_42, %scan3A_37#1, %broadcast_in_dim3A_43 : vector<16xi1>, vector<16xi32>
    %reduce_min3A = arith.constant true
    %reduce_min3A_44 = vector.broadcast %reduce_min3A : i1 to vector<16xi1>
    %reduce_min3A_45 = arith.constant -2147483648 : i32
    %reduce_min3A_46 = vector.broadcast %reduce_min3A_45 : i32 to vector<16xi32>
    %reduce_min3A_47 = arith.xori %select_n3A, %reduce_min3A_46 : vector<16xi32>
    %reduce_min3A_48 = tpu.scan <min>, %reduce_min3A_47 masked %reduce_min3A_44 : vector<16xi32>, vector<16xi1> -> vector<16xi32>
    %reduce_min3A_49 = arith.xori %reduce_min3A_48, %reduce_min3A_46 : vector<16xi32>
    %reduce_min3A_50 = vector.extract %reduce_min3A_49[15] : i32 from vector<16xi32>
    %eq3A_51 = vector.broadcast %reduce_min3A_50 : i32 to vector<16xi32>
    %eq3A_52 = arith.cmpi eq, %scan3A_37#1, %eq3A_51 : vector<16xi32>
    %and3A = arith.andi %eq3A_42, %eq3A_52 : vector<16xi1>
    %select_n3A_53 = arith.select %and3A, %scan3A_37#2, %scan3A_37#0 : vector<16xi1>, vector<16xf32>
    %select_n3A_54 = arith.select %and3A, %scan3A_37#3, %scan3A_37#1 : vector<16xi1>, vector<16xi32>
    %reduce_max3A_55 = arith.constant true
    %reduce_max3A_56 = vector.broadcast %reduce_max3A_55 : i1 to vector<16xi1>
    %reduce_max3A_57 = tpu.scan <max>, %select_n3A_53 masked %reduce_max3A_56 : vector<16xf32>, vector<16xi1> -> vector<16xf32>
    %reduce_max3A_58 = vector.extract %reduce_max3A_57[15] : f32 from vector<16xf32>
    %eq3A_59 = vector.broadcast %reduce_max3A_58 : f32 to vector<16xf32>
    %eq3A_60 = arith.cmpf oeq, %select_n3A_53, %eq3A_59 : vector<16xf32>
    %jit3A_61 = arith.constant 2147483647 : i32
    %broadcast_in_dim3A_62 = vector.broadcast %jit3A_61 : i32 to vector<16xi32>
    %select_n3A_63 = arith.select %eq3A_60, %select_n3A_54, %broadcast_in_dim3A_62 : vector<16xi1>, vector<16xi32>
    %reduce_min3A_64 = arith.constant true
    %reduce_min3A_65 = vector.broadcast %reduce_min3A_64 : i1 to vector<16xi1>
    %reduce_min3A_66 = arith.constant -2147483648 : i32
    %reduce_min3A_67 = vector.broadcast %reduce_min3A_66 : i32 to vector<16xi32>
    %reduce_min3A_68 = arith.xori %select_n3A_63, %reduce_min3A_67 : vector<16xi32>
    %reduce_min3A_69 = tpu.scan <min>, %reduce_min3A_68 masked %reduce_min3A_65 : vector<16xi32>, vector<16xi1> -> vector<16xi32>
    %reduce_min3A_70 = arith.xori %reduce_min3A_69, %reduce_min3A_67 : vector<16xi32>
    %reduce_min3A_71 = vector.extract %reduce_min3A_70[15] : i32 from vector<16xi32>
    %eq3A_72 = arith.constant 0 : i32
    %eq3A_73 = vector.broadcast %eq3A_72 : i32 to vector<16xi32>
    %eq3A_74 = arith.cmpi eq, %iota3A, %eq3A_73 : vector<16xi32>
    %broadcast_in_dim3A_75 = vector.broadcast %reduce_max3A_41 : f32 to vector<16xf32>
    %select_n3A_76 = arith.select %eq3A_74, %broadcast_in_dim3A_75, %broadcast_in_dim3A_3 : vector<16xi1>, vector<16xf32>
    %eq3A_77 = arith.constant 1 : i32
    %eq3A_78 = vector.broadcast %eq3A_77 : i32 to vector<16xi32>
    %eq3A_79 = arith.cmpi eq, %iota3A, %eq3A_78 : vector<16xi32>
    %broadcast_in_dim3A_80 = vector.broadcast %reduce_max3A_58 : f32 to vector<16xf32>
    %select_n3A_81 = arith.select %eq3A_79, %broadcast_in_dim3A_80, %select_n3A_76 : vector<16xi1>, vector<16xf32>
    %eq3A_82 = arith.constant 0 : i32
    %eq3A_83 = vector.broadcast %eq3A_82 : i32 to vector<16xi32>
    %eq3A_84 = arith.cmpi eq, %iota3A, %eq3A_83 : vector<16xi32>
    %broadcast_in_dim3A_85 = vector.broadcast %reduce_min3A_50 : i32 to vector<16xi32>
    %select_n3A_86 = arith.select %eq3A_84, %broadcast_in_dim3A_85, %broadcast_in_dim3A_5 : vector<16xi1>, vector<16xi32>
    %eq3A_87 = arith.constant 1 : i32
    %eq3A_88 = vector.broadcast %eq3A_87 : i32 to vector<16xi32>
    %eq3A_89 = arith.cmpi eq, %iota3A, %eq3A_88 : vector<16xi32>
    %broadcast_in_dim3A_90 = vector.broadcast %reduce_min3A_71 : i32 to vector<16xi32>
    %select_n3A_91 = arith.select %eq3A_89, %broadcast_in_dim3A_90, %select_n3A_86 : vector<16xi1>, vector<16xi32>
    %add3A_92 = arith.constant 1 : i32
    %add3A_93 = arith.addi %mul3A_2, %add3A_92 : i32
    %add3A_94 = arith.constant 1 : i32
    %add3A_95 = arith.addi %add3A_93, %add3A_94 : i32
    %dma_start3A_96 = arith.constant 0 : i32
    %dma_start3A_97 = tpu.memref_slice %arg2[%add3A_95, %dma_start3A_96] : memref<128x32768xf32, #tpu.memory_space<hbm>> -> memref<1x32768xf32, #tpu.memory_space<hbm>>
    %dma_start3A_98 = tpu.memref_squeeze %dma_start3A_97 : memref<1x32768xf32, #tpu.memory_space<hbm>> -> memref<32768xf32, #tpu.memory_space<hbm>>
    %dma_start3A_99 = arith.constant 0 : i32
    %dma_start3A_100 = tpu.memref_slice %arg2[%add3A_95, %dma_start3A_99] : memref<128x32768xf32, #tpu.memory_space<hbm>> -> memref<1x32768xf32, #tpu.memory_space<hbm>>
    %dma_start3A_101 = tpu.memref_squeeze %dma_start3A_100 : memref<1x32768xf32, #tpu.memory_space<hbm>> -> memref<32768xf32, #tpu.memory_space<hbm>>
    tpu.enqueue_dma source(%dma_start3A_101 : memref<32768xf32, #tpu.memory_space<hbm>>) target(%arg5 : memref<32768xf32, #tpu.memory_space<vmem>>) target_semaphore(%arg9 : memref<!tpu.dma_semaphore, #tpu.memory_space<semaphore_mem>>)
    %dma_wait3A_102 = arith.constant 0 : i32
    %dma_wait3A_103 = tpu.memref_slice %arg2[%add3A_14, %dma_wait3A_102] : memref<128x32768xf32, #tpu.memory_space<hbm>> -> memref<1x32768xf32, #tpu.memory_space<hbm>>
    %dma_wait3A_104 = tpu.memref_squeeze %dma_wait3A_103 : memref<1x32768xf32, #tpu.memory_space<hbm>> -> memref<32768xf32, #tpu.memory_space<hbm>>
    %dma_wait3A_105 = arith.constant 0 : i32
    %dma_wait3A_106 = tpu.memref_slice %arg2[%add3A_14, %dma_wait3A_105] : memref<128x32768xf32, #tpu.memory_space<hbm>> -> memref<1x32768xf32, #tpu.memory_space<hbm>>
    %dma_wait3A_107 = tpu.memref_squeeze %dma_wait3A_106 : memref<1x32768xf32, #tpu.memory_space<hbm>> -> memref<32768xf32, #tpu.memory_space<hbm>>
    tpu.wait_dma2 semaphore(%arg10 : memref<!tpu.dma_semaphore, #tpu.memory_space<semaphore_mem>>) src(%dma_wait3A_107 : memref<32768xf32, #tpu.memory_space<hbm>>) dst(%arg6 : memref<32768xf32, #tpu.memory_space<vmem>>)
    %broadcast_in_dim3A_108 = arith.constant 0xFF800000 : f32
    %broadcast_in_dim3A_109 = vector.broadcast %broadcast_in_dim3A_108 : f32 to vector<16xf32>
    %broadcast_in_dim3A_110 = arith.constant 0 : i32
    %broadcast_in_dim3A_111 = vector.broadcast %broadcast_in_dim3A_110 : i32 to vector<16xi32>
    %broadcast_in_dim3A_112 = arith.constant 0xFF800000 : f32
    %broadcast_in_dim3A_113 = vector.broadcast %broadcast_in_dim3A_112 : f32 to vector<16xf32>
    %broadcast_in_dim3A_114 = arith.constant 0 : i32
    %broadcast_in_dim3A_115 = vector.broadcast %broadcast_in_dim3A_114 : i32 to vector<16xi32>
    %scan3A_116 = arith.constant 0 : i32
    %scan3A_117 = arith.constant 2048 : i32
    %scan3A_118 = arith.addi %scan3A_116, %scan3A_117 : i32
    %scan3A_119 = arith.constant 1 : i32
    %scan3A_120:4 = scf.for %scan3A_356 = %scan3A_116 to %scan3A_118 step %scan3A_119 iter_args(%scan3A_357 = %broadcast_in_dim3A_109, %scan3A_358 = %broadcast_in_dim3A_111, %scan3A_359 = %broadcast_in_dim3A_113, %scan3A_360 = %broadcast_in_dim3A_115) -> (vector<16xf32>, vector<16xi32>, vector<16xf32>, vector<16xi32>)  : i32 {
      %mul3A_361 = arith.constant 16 : i32
      %mul3A_362 = arith.muli %scan3A_356, %mul3A_361 : i32
      %get3A = arith.index_cast %mul3A_362 : i32 to index
      %get3A_363 = tpu.vector_load %arg6[%get3A] {strides = array<i32>} : memref<32768xf32, #tpu.memory_space<vmem>>, vector<16xf32>,
      %mul3A_364 = arith.constant 16 : i32
      %mul3A_365 = arith.muli %scan3A_356, %mul3A_364 : i32
      %add3A_366 = vector.broadcast %mul3A_365 : i32 to vector<16xi32>
      %add3A_367 = arith.addi %add3A_366, %iota3A : vector<16xi32>
      %gt3A = arith.cmpf ogt, %get3A_363, %scan3A_357 : vector<16xf32>
      %gt3A_368 = arith.cmpf ogt, %get3A_363, %scan3A_359 : vector<16xf32>
      %select_n3A_369 = arith.select %gt3A_368, %get3A_363, %scan3A_359 : vector<16xi1>, vector<16xf32>
      %select_n3A_370 = arith.select %gt3A, %scan3A_357, %select_n3A_369 : vector<16xi1>, vector<16xf32>
      %select_n3A_371 = arith.select %gt3A_368, %add3A_367, %scan3A_360 : vector<16xi1>, vector<16xi32>
      %select_n3A_372 = arith.select %gt3A, %scan3A_358, %select_n3A_371 : vector<16xi1>, vector<16xi32>
      %select_n3A_373 = arith.select %gt3A, %get3A_363, %scan3A_357 : vector<16xi1>, vector<16xf32>
      %select_n3A_374 = arith.select %gt3A, %add3A_367, %scan3A_358 : vector<16xi1>, vector<16xi32>
      scf.yield %select_n3A_373, %select_n3A_374, %select_n3A_370, %select_n3A_372 : vector<16xf32>, vector<16xi32>, vector<16xf32>, vector<16xi32>
    }
    %scan3A_121 = arith.constant 2048 : i32
    %reduce_max3A_122 = arith.constant true
    %reduce_max3A_123 = vector.broadcast %reduce_max3A_122 : i1 to vector<16xi1>
    %reduce_max3A_124 = tpu.scan <max>, %scan3A_120#0 masked %reduce_max3A_123 : vector<16xf32>, vector<16xi1> -> vector<16xf32>
    %reduce_max3A_125 = vector.extract %reduce_max3A_124[15] : f32 from vector<16xf32>
    %eq3A_126 = vector.broadcast %reduce_max3A_125 : f32 to vector<16xf32>
    %eq3A_127 = arith.cmpf oeq, %scan3A_120#0, %eq3A_126 : vector<16xf32>
    %jit3A_128 = arith.constant 2147483647 : i32
    %broadcast_in_dim3A_129 = vector.broadcast %jit3A_128 : i32 to vector<16xi32>
    %select_n3A_130 = arith.select %eq3A_127, %scan3A_120#1, %broadcast_in_dim3A_129 : vector<16xi1>, vector<16xi32>
    %reduce_min3A_131 = arith.constant true
    %reduce_min3A_132 = vector.broadcast %reduce_min3A_131 : i1 to vector<16xi1>
    %reduce_min3A_133 = arith.constant -2147483648 : i32
    %reduce_min3A_134 = vector.broadcast %reduce_min3A_133 : i32 to vector<16xi32>
    %reduce_min3A_135 = arith.xori %select_n3A_130, %reduce_min3A_134 : vector<16xi32>
    %reduce_min3A_136 = tpu.scan <min>, %reduce_min3A_135 masked %reduce_min3A_132 : vector<16xi32>, vector<16xi1> -> vector<16xi32>
    %reduce_min3A_137 = arith.xori %reduce_min3A_136, %reduce_min3A_134 : vector<16xi32>
    %reduce_min3A_138 = vector.extract %reduce_min3A_137[15] : i32 from vector<16xi32>
    %eq3A_139 = vector.broadcast %reduce_min3A_138 : i32 to vector<16xi32>
    %eq3A_140 = arith.cmpi eq, %scan3A_120#1, %eq3A_139 : vector<16xi32>
    %and3A_141 = arith.andi %eq3A_127, %eq3A_140 : vector<16xi1>
    %select_n3A_142 = arith.select %and3A_141, %scan3A_120#2, %scan3A_120#0 : vector<16xi1>, vector<16xf32>
    %select_n3A_143 = arith.select %and3A_141, %scan3A_120#3, %scan3A_120#1 : vector<16xi1>, vector<16xi32>
    %reduce_max3A_144 = arith.constant true
    %reduce_max3A_145 = vector.broadcast %reduce_max3A_144 : i1 to vector<16xi1>
    %reduce_max3A_146 = tpu.scan <max>, %select_n3A_142 masked %reduce_max3A_145 : vector<16xf32>, vector<16xi1> -> vector<16xf32>
    %reduce_max3A_147 = vector.extract %reduce_max3A_146[15] : f32 from vector<16xf32>
    %eq3A_148 = vector.broadcast %reduce_max3A_147 : f32 to vector<16xf32>
    %eq3A_149 = arith.cmpf oeq, %select_n3A_142, %eq3A_148 : vector<16xf32>
    %jit3A_150 = arith.constant 2147483647 : i32
    %broadcast_in_dim3A_151 = vector.broadcast %jit3A_150 : i32 to vector<16xi32>
    %select_n3A_152 = arith.select %eq3A_149, %select_n3A_143, %broadcast_in_dim3A_151 : vector<16xi1>, vector<16xi32>
    %reduce_min3A_153 = arith.constant true
    %reduce_min3A_154 = vector.broadcast %reduce_min3A_153 : i1 to vector<16xi1>
    %reduce_min3A_155 = arith.constant -2147483648 : i32
    %reduce_min3A_156 = vector.broadcast %reduce_min3A_155 : i32 to vector<16xi32>
    %reduce_min3A_157 = arith.xori %select_n3A_152, %reduce_min3A_156 : vector<16xi32>
    %reduce_min3A_158 = tpu.scan <min>, %reduce_min3A_157 masked %reduce_min3A_154 : vector<16xi32>, vector<16xi1> -> vector<16xi32>
    %reduce_min3A_159 = arith.xori %reduce_min3A_158, %reduce_min3A_156 : vector<16xi32>
    %reduce_min3A_160 = vector.extract %reduce_min3A_159[15] : i32 from vector<16xi32>
    %eq3A_161 = arith.constant 2 : i32
    %eq3A_162 = vector.broadcast %eq3A_161 : i32 to vector<16xi32>
    %eq3A_163 = arith.cmpi eq, %iota3A, %eq3A_162 : vector<16xi32>
    %broadcast_in_dim3A_164 = vector.broadcast %reduce_max3A_125 : f32 to vector<16xf32>
    %select_n3A_165 = arith.select %eq3A_163, %broadcast_in_dim3A_164, %select_n3A_81 : vector<16xi1>, vector<16xf32>
    %eq3A_166 = arith.constant 3 : i32
    %eq3A_167 = vector.broadcast %eq3A_166 : i32 to vector<16xi32>
    %eq3A_168 = arith.cmpi eq, %iota3A, %eq3A_167 : vector<16xi32>
    %broadcast_in_dim3A_169 = vector.broadcast %reduce_max3A_147 : f32 to vector<16xf32>
    %select_n3A_170 = arith.select %eq3A_168, %broadcast_in_dim3A_169, %select_n3A_165 : vector<16xi1>, vector<16xf32>
    %eq3A_171 = arith.constant 2 : i32
    %eq3A_172 = vector.broadcast %eq3A_171 : i32 to vector<16xi32>
    %eq3A_173 = arith.cmpi eq, %iota3A, %eq3A_172 : vector<16xi32>
    %broadcast_in_dim3A_174 = vector.broadcast %reduce_min3A_138 : i32 to vector<16xi32>
    %select_n3A_175 = arith.select %eq3A_173, %broadcast_in_dim3A_174, %select_n3A_91 : vector<16xi1>, vector<16xi32>
    %eq3A_176 = arith.constant 3 : i32
    %eq3A_177 = vector.broadcast %eq3A_176 : i32 to vector<16xi32>
    %eq3A_178 = arith.cmpi eq, %iota3A, %eq3A_177 : vector<16xi32>
    %broadcast_in_dim3A_179 = vector.broadcast %reduce_min3A_160 : i32 to vector<16xi32>
    %select_n3A_180 = arith.select %eq3A_178, %broadcast_in_dim3A_179, %select_n3A_175 : vector<16xi1>, vector<16xi32>
    %add3A_181 = arith.constant 2 : i32
    %add3A_182 = arith.addi %mul3A_2, %add3A_181 : i32
    %add3A_183 = arith.constant 1 : i32
    %add3A_184 = arith.addi %add3A_182, %add3A_183 : i32
    %dma_start3A_185 = arith.constant 0 : i32
    %dma_start3A_186 = tpu.memref_slice %arg2[%add3A_184, %dma_start3A_185] : memref<128x32768xf32, #tpu.memory_space<hbm>> -> memref<1x32768xf32, #tpu.memory_space<hbm>>
    %dma_start3A_187 = tpu.memref_squeeze %dma_start3A_186 : memref<1x32768xf32, #tpu.memory_space<hbm>> -> memref<32768xf32, #tpu.memory_space<hbm>>
    %dma_start3A_188 = arith.constant 0 : i32
    %dma_start3A_189 = tpu.memref_slice %arg2[%add3A_184, %dma_start3A_188] : memref<128x32768xf32, #tpu.memory_space<hbm>> -> memref<1x32768xf32, #tpu.memory_space<hbm>>
    %dma_start3A_190 = tpu.memref_squeeze %dma_start3A_189 : memref<1x32768xf32, #tpu.memory_space<hbm>> -> memref<32768xf32, #tpu.memory_space<hbm>>
    tpu.enqueue_dma source(%dma_start3A_190 : memref<32768xf32, #tpu.memory_space<hbm>>) target(%arg6 : memref<32768xf32, #tpu.memory_space<vmem>>) target_semaphore(%arg10 : memref<!tpu.dma_semaphore, #tpu.memory_space<semaphore_mem>>)
    %dma_wait3A_191 = arith.constant 0 : i32
    %dma_wait3A_192 = tpu.memref_slice %arg2[%add3A_95, %dma_wait3A_191] : memref<128x32768xf32, #tpu.memory_space<hbm>> -> memref<1x32768xf32, #tpu.memory_space<hbm>>
    %dma_wait3A_193 = tpu.memref_squeeze %dma_wait3A_192 : memref<1x32768xf32, #tpu.memory_space<hbm>> -> memref<32768xf32, #tpu.memory_space<hbm>>
    %dma_wait3A_194 = arith.constant 0 : i32
    %dma_wait3A_195 = tpu.memref_slice %arg2[%add3A_95, %dma_wait3A_194] : memref<128x32768xf32, #tpu.memory_space<hbm>> -> memref<1x32768xf32, #tpu.memory_space<hbm>>
    %dma_wait3A_196 = tpu.memref_squeeze %dma_wait3A_195 : memref<1x32768xf32, #tpu.memory_space<hbm>> -> memref<32768xf32, #tpu.memory_space<hbm>>
    tpu.wait_dma2 semaphore(%arg9 : memref<!tpu.dma_semaphore, #tpu.memory_space<semaphore_mem>>) src(%dma_wait3A_196 : memref<32768xf32, #tpu.memory_space<hbm>>) dst(%arg5 : memref<32768xf32, #tpu.memory_space<vmem>>)
    %broadcast_in_dim3A_197 = arith.constant 0xFF800000 : f32
    %broadcast_in_dim3A_198 = vector.broadcast %broadcast_in_dim3A_197 : f32 to vector<16xf32>
    %broadcast_in_dim3A_199 = arith.constant 0 : i32
    %broadcast_in_dim3A_200 = vector.broadcast %broadcast_in_dim3A_199 : i32 to vector<16xi32>
    %broadcast_in_dim3A_201 = arith.constant 0xFF800000 : f32
    %broadcast_in_dim3A_202 = vector.broadcast %broadcast_in_dim3A_201 : f32 to vector<16xf32>
    %broadcast_in_dim3A_203 = arith.constant 0 : i32
    %broadcast_in_dim3A_204 = vector.broadcast %broadcast_in_dim3A_203 : i32 to vector<16xi32>
    %scan3A_205 = arith.constant 0 : i32
    %scan3A_206 = arith.constant 2048 : i32
    %scan3A_207 = arith.addi %scan3A_205, %scan3A_206 : i32
    %scan3A_208 = arith.constant 1 : i32
    %scan3A_209:4 = scf.for %scan3A_356 = %scan3A_205 to %scan3A_207 step %scan3A_208 iter_args(%scan3A_357 = %broadcast_in_dim3A_198, %scan3A_358 = %broadcast_in_dim3A_200, %scan3A_359 = %broadcast_in_dim3A_202, %scan3A_360 = %broadcast_in_dim3A_204) -> (vector<16xf32>, vector<16xi32>, vector<16xf32>, vector<16xi32>)  : i32 {
      %mul3A_361 = arith.constant 16 : i32
      %mul3A_362 = arith.muli %scan3A_356, %mul3A_361 : i32
      %get3A = arith.index_cast %mul3A_362 : i32 to index
      %get3A_363 = tpu.vector_load %arg5[%get3A] {strides = array<i32>} : memref<32768xf32, #tpu.memory_space<vmem>>, vector<16xf32>,
      %mul3A_364 = arith.constant 16 : i32
      %mul3A_365 = arith.muli %scan3A_356, %mul3A_364 : i32
      %add3A_366 = vector.broadcast %mul3A_365 : i32 to vector<16xi32>
      %add3A_367 = arith.addi %add3A_366, %iota3A : vector<16xi32>
      %gt3A = arith.cmpf ogt, %get3A_363, %scan3A_357 : vector<16xf32>
      %gt3A_368 = arith.cmpf ogt, %get3A_363, %scan3A_359 : vector<16xf32>
      %select_n3A_369 = arith.select %gt3A_368, %get3A_363, %scan3A_359 : vector<16xi1>, vector<16xf32>
      %select_n3A_370 = arith.select %gt3A, %scan3A_357, %select_n3A_369 : vector<16xi1>, vector<16xf32>
      %select_n3A_371 = arith.select %gt3A_368, %add3A_367, %scan3A_360 : vector<16xi1>, vector<16xi32>
      %select_n3A_372 = arith.select %gt3A, %scan3A_358, %select_n3A_371 : vector<16xi1>, vector<16xi32>
      %select_n3A_373 = arith.select %gt3A, %get3A_363, %scan3A_357 : vector<16xi1>, vector<16xf32>
      %select_n3A_374 = arith.select %gt3A, %add3A_367, %scan3A_358 : vector<16xi1>, vector<16xi32>
      scf.yield %select_n3A_373, %select_n3A_374, %select_n3A_370, %select_n3A_372 : vector<16xf32>, vector<16xi32>, vector<16xf32>, vector<16xi32>
    }
    %scan3A_210 = arith.constant 2048 : i32
    %reduce_max3A_211 = arith.constant true
    %reduce_max3A_212 = vector.broadcast %reduce_max3A_211 : i1 to vector<16xi1>
    %reduce_max3A_213 = tpu.scan <max>, %scan3A_209#0 masked %reduce_max3A_212 : vector<16xf32>, vector<16xi1> -> vector<16xf32>
    %reduce_max3A_214 = vector.extract %reduce_max3A_213[15] : f32 from vector<16xf32>
    %eq3A_215 = vector.broadcast %reduce_max3A_214 : f32 to vector<16xf32>
    %eq3A_216 = arith.cmpf oeq, %scan3A_209#0, %eq3A_215 : vector<16xf32>
    %jit3A_217 = arith.constant 2147483647 : i32
    %broadcast_in_dim3A_218 = vector.broadcast %jit3A_217 : i32 to vector<16xi32>
    %select_n3A_219 = arith.select %eq3A_216, %scan3A_209#1, %broadcast_in_dim3A_218 : vector<16xi1>, vector<16xi32>
    %reduce_min3A_220 = arith.constant true
    %reduce_min3A_221 = vector.broadcast %reduce_min3A_220 : i1 to vector<16xi1>
    %reduce_min3A_222 = arith.constant -2147483648 : i32
    %reduce_min3A_223 = vector.broadcast %reduce_min3A_222 : i32 to vector<16xi32>
    %reduce_min3A_224 = arith.xori %select_n3A_219, %reduce_min3A_223 : vector<16xi32>
    %reduce_min3A_225 = tpu.scan <min>, %reduce_min3A_224 masked %reduce_min3A_221 : vector<16xi32>, vector<16xi1> -> vector<16xi32>
    %reduce_min3A_226 = arith.xori %reduce_min3A_225, %reduce_min3A_223 : vector<16xi32>
    %reduce_min3A_227 = vector.extract %reduce_min3A_226[15] : i32 from vector<16xi32>
    %eq3A_228 = vector.broadcast %reduce_min3A_227 : i32 to vector<16xi32>
    %eq3A_229 = arith.cmpi eq, %scan3A_209#1, %eq3A_228 : vector<16xi32>
    %and3A_230 = arith.andi %eq3A_216, %eq3A_229 : vector<16xi1>
    %select_n3A_231 = arith.select %and3A_230, %scan3A_209#2, %scan3A_209#0 : vector<16xi1>, vector<16xf32>
    %select_n3A_232 = arith.select %and3A_230, %scan3A_209#3, %scan3A_209#1 : vector<16xi1>, vector<16xi32>
    %reduce_max3A_233 = arith.constant true
    %reduce_max3A_234 = vector.broadcast %reduce_max3A_233 : i1 to vector<16xi1>
    %reduce_max3A_235 = tpu.scan <max>, %select_n3A_231 masked %reduce_max3A_234 : vector<16xf32>, vector<16xi1> -> vector<16xf32>
    %reduce_max3A_236 = vector.extract %reduce_max3A_235[15] : f32 from vector<16xf32>
    %eq3A_237 = vector.broadcast %reduce_max3A_236 : f32 to vector<16xf32>
    %eq3A_238 = arith.cmpf oeq, %select_n3A_231, %eq3A_237 : vector<16xf32>
    %jit3A_239 = arith.constant 2147483647 : i32
    %broadcast_in_dim3A_240 = vector.broadcast %jit3A_239 : i32 to vector<16xi32>
    %select_n3A_241 = arith.select %eq3A_238, %select_n3A_232, %broadcast_in_dim3A_240 : vector<16xi1>, vector<16xi32>
    %reduce_min3A_242 = arith.constant true
    %reduce_min3A_243 = vector.broadcast %reduce_min3A_242 : i1 to vector<16xi1>
    %reduce_min3A_244 = arith.constant -2147483648 : i32
    %reduce_min3A_245 = vector.broadcast %reduce_min3A_244 : i32 to vector<16xi32>
    %reduce_min3A_246 = arith.xori %select_n3A_241, %reduce_min3A_245 : vector<16xi32>
    %reduce_min3A_247 = tpu.scan <min>, %reduce_min3A_246 masked %reduce_min3A_243 : vector<16xi32>, vector<16xi1> -> vector<16xi32>
    %reduce_min3A_248 = arith.xori %reduce_min3A_247, %reduce_min3A_245 : vector<16xi32>
    %reduce_min3A_249 = vector.extract %reduce_min3A_248[15] : i32 from vector<16xi32>
    %eq3A_250 = arith.constant 4 : i32
    %eq3A_251 = vector.broadcast %eq3A_250 : i32 to vector<16xi32>
    %eq3A_252 = arith.cmpi eq, %iota3A, %eq3A_251 : vector<16xi32>
    %broadcast_in_dim3A_253 = vector.broadcast %reduce_max3A_214 : f32 to vector<16xf32>
    %select_n3A_254 = arith.select %eq3A_252, %broadcast_in_dim3A_253, %select_n3A_170 : vector<16xi1>, vector<16xf32>
    %eq3A_255 = arith.constant 5 : i32
    %eq3A_256 = vector.broadcast %eq3A_255 : i32 to vector<16xi32>
    %eq3A_257 = arith.cmpi eq, %iota3A, %eq3A_256 : vector<16xi32>
    %broadcast_in_dim3A_258 = vector.broadcast %reduce_max3A_236 : f32 to vector<16xf32>
    %select_n3A_259 = arith.select %eq3A_257, %broadcast_in_dim3A_258, %select_n3A_254 : vector<16xi1>, vector<16xf32>
    %eq3A_260 = arith.constant 4 : i32
    %eq3A_261 = vector.broadcast %eq3A_260 : i32 to vector<16xi32>
    %eq3A_262 = arith.cmpi eq, %iota3A, %eq3A_261 : vector<16xi32>
    %broadcast_in_dim3A_263 = vector.broadcast %reduce_min3A_227 : i32 to vector<16xi32>
    %select_n3A_264 = arith.select %eq3A_262, %broadcast_in_dim3A_263, %select_n3A_180 : vector<16xi1>, vector<16xi32>
    %eq3A_265 = arith.constant 5 : i32
    %eq3A_266 = vector.broadcast %eq3A_265 : i32 to vector<16xi32>
    %eq3A_267 = arith.cmpi eq, %iota3A, %eq3A_266 : vector<16xi32>
    %broadcast_in_dim3A_268 = vector.broadcast %reduce_min3A_249 : i32 to vector<16xi32>
    %select_n3A_269 = arith.select %eq3A_267, %broadcast_in_dim3A_268, %select_n3A_264 : vector<16xi1>, vector<16xi32>
    %dma_wait3A_270 = arith.constant 0 : i32
    %dma_wait3A_271 = tpu.memref_slice %arg2[%add3A_184, %dma_wait3A_270] : memref<128x32768xf32, #tpu.memory_space<hbm>> -> memref<1x32768xf32, #tpu.memory_space<hbm>>
    %dma_wait3A_272 = tpu.memref_squeeze %dma_wait3A_271 : memref<1x32768xf32, #tpu.memory_space<hbm>> -> memref<32768xf32, #tpu.memory_space<hbm>>
    %dma_wait3A_273 = arith.constant 0 : i32
    %dma_wait3A_274 = tpu.memref_slice %arg2[%add3A_184, %dma_wait3A_273] : memref<128x32768xf32, #tpu.memory_space<hbm>> -> memref<1x32768xf32, #tpu.memory_space<hbm>>
    %dma_wait3A_275 = tpu.memref_squeeze %dma_wait3A_274 : memref<1x32768xf32, #tpu.memory_space<hbm>> -> memref<32768xf32, #tpu.memory_space<hbm>>
    tpu.wait_dma2 semaphore(%arg10 : memref<!tpu.dma_semaphore, #tpu.memory_space<semaphore_mem>>) src(%dma_wait3A_275 : memref<32768xf32, #tpu.memory_space<hbm>>) dst(%arg6 : memref<32768xf32, #tpu.memory_space<vmem>>)
    %broadcast_in_dim3A_276 = arith.constant 0xFF800000 : f32
    %broadcast_in_dim3A_277 = vector.broadcast %broadcast_in_dim3A_276 : f32 to vector<16xf32>
    %broadcast_in_dim3A_278 = arith.constant 0 : i32
    %broadcast_in_dim3A_279 = vector.broadcast %broadcast_in_dim3A_278 : i32 to vector<16xi32>
    %broadcast_in_dim3A_280 = arith.constant 0xFF800000 : f32
    %broadcast_in_dim3A_281 = vector.broadcast %broadcast_in_dim3A_280 : f32 to vector<16xf32>
    %broadcast_in_dim3A_282 = arith.constant 0 : i32
    %broadcast_in_dim3A_283 = vector.broadcast %broadcast_in_dim3A_282 : i32 to vector<16xi32>
    %scan3A_284 = arith.constant 0 : i32
    %scan3A_285 = arith.constant 2048 : i32
    %scan3A_286 = arith.addi %scan3A_284, %scan3A_285 : i32
    %scan3A_287 = arith.constant 1 : i32
    %scan3A_288:4 = scf.for %scan3A_356 = %scan3A_284 to %scan3A_286 step %scan3A_287 iter_args(%scan3A_357 = %broadcast_in_dim3A_277, %scan3A_358 = %broadcast_in_dim3A_279, %scan3A_359 = %broadcast_in_dim3A_281, %scan3A_360 = %broadcast_in_dim3A_283) -> (vector<16xf32>, vector<16xi32>, vector<16xf32>, vector<16xi32>)  : i32 {
      %mul3A_361 = arith.constant 16 : i32
      %mul3A_362 = arith.muli %scan3A_356, %mul3A_361 : i32
      %get3A = arith.index_cast %mul3A_362 : i32 to index
      %get3A_363 = tpu.vector_load %arg6[%get3A] {strides = array<i32>} : memref<32768xf32, #tpu.memory_space<vmem>>, vector<16xf32>,
      %mul3A_364 = arith.constant 16 : i32
      %mul3A_365 = arith.muli %scan3A_356, %mul3A_364 : i32
      %add3A_366 = vector.broadcast %mul3A_365 : i32 to vector<16xi32>
      %add3A_367 = arith.addi %add3A_366, %iota3A : vector<16xi32>
      %gt3A = arith.cmpf ogt, %get3A_363, %scan3A_357 : vector<16xf32>
      %gt3A_368 = arith.cmpf ogt, %get3A_363, %scan3A_359 : vector<16xf32>
      %select_n3A_369 = arith.select %gt3A_368, %get3A_363, %scan3A_359 : vector<16xi1>, vector<16xf32>
      %select_n3A_370 = arith.select %gt3A, %scan3A_357, %select_n3A_369 : vector<16xi1>, vector<16xf32>
      %select_n3A_371 = arith.select %gt3A_368, %add3A_367, %scan3A_360 : vector<16xi1>, vector<16xi32>
      %select_n3A_372 = arith.select %gt3A, %scan3A_358, %select_n3A_371 : vector<16xi1>, vector<16xi32>
      %select_n3A_373 = arith.select %gt3A, %get3A_363, %scan3A_357 : vector<16xi1>, vector<16xf32>
      %select_n3A_374 = arith.select %gt3A, %add3A_367, %scan3A_358 : vector<16xi1>, vector<16xi32>
      scf.yield %select_n3A_373, %select_n3A_374, %select_n3A_370, %select_n3A_372 : vector<16xf32>, vector<16xi32>, vector<16xf32>, vector<16xi32>
    }
    %scan3A_289 = arith.constant 2048 : i32
    %reduce_max3A_290 = arith.constant true
    %reduce_max3A_291 = vector.broadcast %reduce_max3A_290 : i1 to vector<16xi1>
    %reduce_max3A_292 = tpu.scan <max>, %scan3A_288#0 masked %reduce_max3A_291 : vector<16xf32>, vector<16xi1> -> vector<16xf32>
    %reduce_max3A_293 = vector.extract %reduce_max3A_292[15] : f32 from vector<16xf32>
    %eq3A_294 = vector.broadcast %reduce_max3A_293 : f32 to vector<16xf32>
    %eq3A_295 = arith.cmpf oeq, %scan3A_288#0, %eq3A_294 : vector<16xf32>
    %jit3A_296 = arith.constant 2147483647 : i32
    %broadcast_in_dim3A_297 = vector.broadcast %jit3A_296 : i32 to vector<16xi32>
    %select_n3A_298 = arith.select %eq3A_295, %scan3A_288#1, %broadcast_in_dim3A_297 : vector<16xi1>, vector<16xi32>
    %reduce_min3A_299 = arith.constant true
    %reduce_min3A_300 = vector.broadcast %reduce_min3A_299 : i1 to vector<16xi1>
    %reduce_min3A_301 = arith.constant -2147483648 : i32
    %reduce_min3A_302 = vector.broadcast %reduce_min3A_301 : i32 to vector<16xi32>
    %reduce_min3A_303 = arith.xori %select_n3A_298, %reduce_min3A_302 : vector<16xi32>
    %reduce_min3A_304 = tpu.scan <min>, %reduce_min3A_303 masked %reduce_min3A_300 : vector<16xi32>, vector<16xi1> -> vector<16xi32>
    %reduce_min3A_305 = arith.xori %reduce_min3A_304, %reduce_min3A_302 : vector<16xi32>
    %reduce_min3A_306 = vector.extract %reduce_min3A_305[15] : i32 from vector<16xi32>
    %eq3A_307 = vector.broadcast %reduce_min3A_306 : i32 to vector<16xi32>
    %eq3A_308 = arith.cmpi eq, %scan3A_288#1, %eq3A_307 : vector<16xi32>
    %and3A_309 = arith.andi %eq3A_295, %eq3A_308 : vector<16xi1>
    %select_n3A_310 = arith.select %and3A_309, %scan3A_288#2, %scan3A_288#0 : vector<16xi1>, vector<16xf32>
    %select_n3A_311 = arith.select %and3A_309, %scan3A_288#3, %scan3A_288#1 : vector<16xi1>, vector<16xi32>
    %reduce_max3A_312 = arith.constant true
    %reduce_max3A_313 = vector.broadcast %reduce_max3A_312 : i1 to vector<16xi1>
    %reduce_max3A_314 = tpu.scan <max>, %select_n3A_310 masked %reduce_max3A_313 : vector<16xf32>, vector<16xi1> -> vector<16xf32>
    %reduce_max3A_315 = vector.extract %reduce_max3A_314[15] : f32 from vector<16xf32>
    %eq3A_316 = vector.broadcast %reduce_max3A_315 : f32 to vector<16xf32>
    %eq3A_317 = arith.cmpf oeq, %select_n3A_310, %eq3A_316 : vector<16xf32>
    %jit3A_318 = arith.constant 2147483647 : i32
    %broadcast_in_dim3A_319 = vector.broadcast %jit3A_318 : i32 to vector<16xi32>
    %select_n3A_320 = arith.select %eq3A_317, %select_n3A_311, %broadcast_in_dim3A_319 : vector<16xi1>, vector<16xi32>
    %reduce_min3A_321 = arith.constant true
    %reduce_min3A_322 = vector.broadcast %reduce_min3A_321 : i1 to vector<16xi1>
    %reduce_min3A_323 = arith.constant -2147483648 : i32
    %reduce_min3A_324 = vector.broadcast %reduce_min3A_323 : i32 to vector<16xi32>
    %reduce_min3A_325 = arith.xori %select_n3A_320, %reduce_min3A_324 : vector<16xi32>
    %reduce_min3A_326 = tpu.scan <min>, %reduce_min3A_325 masked %reduce_min3A_322 : vector<16xi32>, vector<16xi1> -> vector<16xi32>
    %reduce_min3A_327 = arith.xori %reduce_min3A_326, %reduce_min3A_324 : vector<16xi32>
    %reduce_min3A_328 = vector.extract %reduce_min3A_327[15] : i32 from vector<16xi32>
    %eq3A_329 = arith.constant 6 : i32
    %eq3A_330 = vector.broadcast %eq3A_329 : i32 to vector<16xi32>
    %eq3A_331 = arith.cmpi eq, %iota3A, %eq3A_330 : vector<16xi32>
    %broadcast_in_dim3A_332 = vector.broadcast %reduce_max3A_293 : f32 to vector<16xf32>
    %select_n3A_333 = arith.select %eq3A_331, %broadcast_in_dim3A_332, %select_n3A_259 : vector<16xi1>, vector<16xf32>
    %eq3A_334 = arith.constant 7 : i32
    %eq3A_335 = vector.broadcast %eq3A_334 : i32 to vector<16xi32>
    %eq3A_336 = arith.cmpi eq, %iota3A, %eq3A_335 : vector<16xi32>
    %broadcast_in_dim3A_337 = vector.broadcast %reduce_max3A_315 : f32 to vector<16xf32>
    %select_n3A_338 = arith.select %eq3A_336, %broadcast_in_dim3A_337, %select_n3A_333 : vector<16xi1>, vector<16xf32>
    %eq3A_339 = arith.constant 6 : i32
    %eq3A_340 = vector.broadcast %eq3A_339 : i32 to vector<16xi32>
    %eq3A_341 = arith.cmpi eq, %iota3A, %eq3A_340 : vector<16xi32>
    %broadcast_in_dim3A_342 = vector.broadcast %reduce_min3A_306 : i32 to vector<16xi32>
    %select_n3A_343 = arith.select %eq3A_341, %broadcast_in_dim3A_342, %select_n3A_269 : vector<16xi1>, vector<16xi32>
    %eq3A_344 = arith.constant 7 : i32
    %eq3A_345 = vector.broadcast %eq3A_344 : i32 to vector<16xi32>
    %eq3A_346 = arith.cmpi eq, %iota3A, %eq3A_345 : vector<16xi32>
    %broadcast_in_dim3A_347 = vector.broadcast %reduce_min3A_328 : i32 to vector<16xi32>
    %select_n3A_348 = arith.select %eq3A_346, %broadcast_in_dim3A_347, %select_n3A_343 : vector<16xi1>, vector<16xi32>
    %swap3A = arith.constant 0 : index
    %swap3A_349 = tpu.vector_load %arg7[%swap3A] {strides = array<i32>} : memref<16xf32, #tpu.memory_space<vmem>>, vector<16xf32>,
    tpu.vector_store %arg7[%swap3A], %select_n3A_338 {strides = array<i32>} : memref<16xf32, #tpu.memory_space<vmem>>, vector<16xf32>,
    %swap3A_350 = arith.constant 0 : index
    %swap3A_351 = tpu.vector_load %arg8[%swap3A_350] {strides = array<i32>} : memref<16xi32, #tpu.memory_space<vmem>>, vector<16xi32>,
    tpu.vector_store %arg8[%swap3A_350], %select_n3A_348 {strides = array<i32>} : memref<16xi32, #tpu.memory_space<vmem>>, vector<16xi32>,
    %mul3A_352 = arith.constant 2 : i32
    %mul3A_353 = arith.muli %mul3A_2, %mul3A_352 : i32
    "tpu.region"() ({
      %run_scoped3A = tpu.sem_alloc : memref<!tpu.dma_semaphore, #tpu.memory_space<semaphore_mem>>
      %dma_start3A_356 = arith.constant 0 : i32
      %dma_start3A_357 = tpu.memref_slice %arg7[%dma_start3A_356] : memref<16xf32, #tpu.memory_space<vmem>> -> memref<8xf32, #tpu.memory_space<vmem>>
      %dma_start3A_358 = tpu.memref_slice %arg3[%mul3A_353] : memref<256xf32, #tpu.memory_space<hbm>> -> memref<8xf32, #tpu.memory_space<hbm>>
      %dma_start3A_359 = tpu.memref_slice %arg3[%mul3A_353] : memref<256xf32, #tpu.memory_space<hbm>> -> memref<8xf32, #tpu.memory_space<hbm>>
      %dma_start3A_360 = arith.constant 0 : i32
      %dma_start3A_361 = tpu.memref_slice %arg7[%dma_start3A_360] : memref<16xf32, #tpu.memory_space<vmem>> -> memref<8xf32, #tpu.memory_space<vmem>>
      tpu.enqueue_dma source(%dma_start3A_361 : memref<8xf32, #tpu.memory_space<vmem>>) target(%dma_start3A_359 : memref<8xf32, #tpu.memory_space<hbm>>) target_semaphore(%run_scoped3A : memref<!tpu.dma_semaphore, #tpu.memory_space<semaphore_mem>>)
      %dma_wait3A_362 = arith.constant 0 : i32
      %dma_wait3A_363 = tpu.memref_slice %arg7[%dma_wait3A_362] : memref<16xf32, #tpu.memory_space<vmem>> -> memref<8xf32, #tpu.memory_space<vmem>>
      %dma_wait3A_364 = tpu.memref_slice %arg3[%mul3A_353] : memref<256xf32, #tpu.memory_space<hbm>> -> memref<8xf32, #tpu.memory_space<hbm>>
      %dma_wait3A_365 = tpu.memref_slice %arg3[%mul3A_353] : memref<256xf32, #tpu.memory_space<hbm>> -> memref<8xf32, #tpu.memory_space<hbm>>
      %dma_wait3A_366 = arith.constant 0 : i32
      %dma_wait3A_367 = tpu.memref_slice %arg7[%dma_wait3A_366] : memref<16xf32, #tpu.memory_space<vmem>> -> memref<8xf32, #tpu.memory_space<vmem>>
      tpu.wait_dma2 semaphore(%run_scoped3A : memref<!tpu.dma_semaphore, #tpu.memory_space<semaphore_mem>>) src(%dma_wait3A_367 : memref<8xf32, #tpu.memory_space<vmem>>) dst(%dma_wait3A_365 : memref<8xf32, #tpu.memory_space<hbm>>)
      tpu.yield
    }) : () -> ()
    %mul3A_354 = arith.constant 2 : i32
    %mul3A_355 = arith.muli %mul3A_2, %mul3A_354 : i32
    "tpu.region"() ({
      %run_scoped3A = tpu.sem_alloc : memref<!tpu.dma_semaphore, #tpu.memory_space<semaphore_mem>>
      %dma_start3A_356 = arith.constant 0 : i32
      %dma_start3A_357 = tpu.memref_slice %arg8[%dma_start3A_356] : memref<16xi32, #tpu.memory_space<vmem>> -> memref<8xi32, #tpu.memory_space<vmem>>
      %dma_start3A_358 = tpu.memref_slice %arg4[%mul3A_355] : memref<256xi32, #tpu.memory_space<hbm>> -> memref<8xi32, #tpu.memory_space<hbm>>
      %dma_start3A_359 = tpu.memref_slice %arg4[%mul3A_355] : memref<256xi32, #tpu.memory_space<hbm>> -> memref<8xi32, #tpu.memory_space<hbm>>
      %dma_start3A_360 = arith.constant 0 : i32
      %dma_start3A_361 = tpu.memref_slice %arg8[%dma_start3A_360] : memref<16xi32, #tpu.memory_space<vmem>> -> memref<8xi32, #tpu.memory_space<vmem>>
      tpu.enqueue_dma source(%dma_start3A_361 : memref<8xi32, #tpu.memory_space<vmem>>) target(%dma_start3A_359 : memref<8xi32, #tpu.memory_space<hbm>>) target_semaphore(%run_scoped3A : memref<!tpu.dma_semaphore, #tpu.memory_space<semaphore_mem>>)
      %dma_wait3A_362 = arith.constant 0 : i32
      %dma_wait3A_363 = tpu.memref_slice %arg8[%dma_wait3A_362] : memref<16xi32, #tpu.memory_space<vmem>> -> memref<8xi32, #tpu.memory_space<vmem>>
      %dma_wait3A_364 = tpu.memref_slice %arg4[%mul3A_355] : memref<256xi32, #tpu.memory_space<hbm>> -> memref<8xi32, #tpu.memory_space<hbm>>
      %dma_wait3A_365 = tpu.memref_slice %arg4[%mul3A_355] : memref<256xi32, #tpu.memory_space<hbm>> -> memref<8xi32, #tpu.memory_space<hbm>>
      %dma_wait3A_366 = arith.constant 0 : i32
      %dma_wait3A_367 = tpu.memref_slice %arg8[%dma_wait3A_366] : memref<16xi32, #tpu.memory_space<vmem>> -> memref<8xi32, #tpu.memory_space<vmem>>
      tpu.wait_dma2 semaphore(%run_scoped3A : memref<!tpu.dma_semaphore, #tpu.memory_space<semaphore_mem>>) src(%dma_wait3A_367 : memref<8xi32, #tpu.memory_space<vmem>>) dst(%dma_wait3A_365 : memref<8xi32, #tpu.memory_space<hbm>>)
      tpu.yield
    }) : () -> ()
    return
  }
}

</mosaic_0001>

<sc_bundles>
// kernel: kernel.3.cloned.1.call-start
scs
__scs_entry_jumppad:
0x0: {  	(pc) =	sbr.rel $0x88, $3  }
0x1: {  	(tag) =	ssettag $0x0;
	lr =	simm.s32 $0x1  }
0x2: {  	[smem:$0x3FA0] =	sst lr;
	_ =	strace $0xD0000000  }
0x3: {  	_ = 	snop  }
0x4: {  	_ = 	snop  }
0x5: {  	_ = 	snop  }
0x6: {  	_ = 	snop  }
0x7: {  	_ = 	snop  }
__scs_overlays_trampoline_lowered:
0x8: {  	[smem:$0x3FAF] =	sst s0  }
0x9: {  	[smem:$0x3FB0] =	sst s1  }
0xa: {  	[smem:$0x3FB1] =	sst s2  }
0xb: {  	[smem:$0x3FB2] =	sst s3  }
0xc: {  	[smem:$0x3FB3] =	sst s4  }
0xd: {  	[smem:$0x3FB4] =	sst s5  }
0xe: {  	[smem:$0x3FB5] =	sst s6  }
0xf: {  	[smem:$0x3FB6] =	sst s7  }
0x10: {  	[smem:$0x3FB7] =	sst s8  }
0x11: {  	[smem:$0x3FB8] =	sst s9;
	s0 =	simm.s32 @!p0 $0x0  }
0x12: {  	s1 =	sld [smem:$0x3F9E];
	s0 =	simm.s32 @p0 $0x1  }
0x13: {  	[smem:$0x3FB9] =	sst s0;
	s0 =	simm.s32 @!p1 $0x0  }
0x14: {  	s2 =	sld [smem:$0x3F9D];
	s0 =	simm.s32 @p1 $0x1  }
0x15: {  	[smem:$0x3FBA] =	sst s0;
	s0 =	simm.s32 @!p2 $0x0  }
0x16: {  	s3 =	sld [smem:$0x3FDB];
	s0 =	simm.s32 @p2 $0x1  }
0x17: {  	s4 =	simm.s32 $0x1BF5;
	[smem:$0x3FBC] =	sst s0  }
0x18: {  	s0 =	sld [smem:$0x3F9F];
	_ =	swait.ge [sflag:s4], $0x0  }
0x19: {  	s7 =	sld [smem:$0x3FA0]  }
0x1a: {  	s8 =	sadd.s32 $0xFFFFE003, lr  }
0x1b: {  	s9 =	sadd.s32 $0xFFFFFEF7, lr;
	s5 =	simm.s32 $0xFFFFFFFF;
	p2 =	slt.u32 s8, $0xFFFFF086  }
0x1c: {  	p1 =	slt.u32 s9, $0xF7A;
	s5 =	simm.s32 @!p2 $0x0  }
0x1d: {  	s5 =	simm.s32 @p1 $0x1;
	p0 =	seq.s32 s7, s2  }
0x1e: {  	s7 =	smul.u32 @!p0 $0xF7A, s2;
	p2 =	seq.s32 @!p0 s5, $0x0  }
0x1f: {  	s9 =	smul.u32 $0xF7A, s1;
	s8 =	simm.s32 @!p0 $0x1BF5;
	p2 =	por !p2, p0  }
0x20: {  	[sflag:s8] =	ssyncset.s32 @!p0 $0xFFFFF086;
	s6 =	sadd.s32 @!p0 s3, s7;
	s7 =	simm.s32 @!p0 $0x108  }
0x21: {  	s3 =	sadd.s32 s3, s9;
	s6 =	sadd.s32 @!p0 $0x88, s6;
	s7 =	simm.s32 @p2 $0x1082  }
0x22: {  	[simem:s7], [sflag:s8] =	dma.local @!p0 [hbm:s6], $0xF7A  }
0x23: {  	s9 =	sor.u32 $0xD0000000, s2;
	s6 =	simm.s32 $0x108;
	_ =	swait.ge @!p0 [sflag:s8], $0x0  }
0x24: {  	s3 =	sadd.s32 $0x88, s3;
	s6 =	simm.s32 @!p1 $0x1082;
	[sflag:s4] =	ssyncset.s32 $0xFFFFF086  }
0x25: {  	[simem:s6], [sflag:s4] =	dma.local [hbm:s3], $0xF7A  }
0x26: {  	[smem:$0x3FA0] =	sst s1;
	(tag) =	ssettag s2;
	_ =	strace s9  }
0x27: {  	s1 =	sld [smem:$0x3FB0]  }
0x28: {  	s2 =	sld [smem:$0x3FB1]  }
0x29: {  	s4 =	sld [smem:$0x3FB3]  }
0x2a: {  	p0 =	seq.s32 s5, $0x0;
	s5 =	sld [smem:$0x3FB4]  }
0x2b: {  	s6 =	sld [smem:$0x3FB5]  }
0x2c: {  	s7 =	sld [smem:$0x3FB6]  }
0x2d: {  	s3 =	simm.s32 $0x108;
	s8 =	sld [smem:$0x3FB7]  }
0x2e: {  	s3 =	simm.s32 @!p0 $0x1082;
	s9 =	sld [smem:$0x3FB8]  }
0x2f: {  	lr =	sadd.s32 s0, s3;
	s0 =	sld [smem:$0x3FAF]  }
0x30: {  	s3 =	sld [smem:$0x3FB2]  }
0x31: {  	[smem:$0x3FBB] =	sst s10  }
0x32: {  	s10 =	sld [smem:$0x3FB9];
	_ =	sdelay $0x3  }
0x33: {  	p0 =	seq.s32 s10, $0x1;
	s10 =	sld [smem:$0x3FBB];
	_ =	sdelay $0x3  }
0x34: {  	[smem:$0x3FBB] =	sst s10  }
0x35: {  	s10 =	sld [smem:$0x3FBA];
	_ =	sdelay $0x3  }
0x36: {  	p1 =	seq.s32 s10, $0x1;
	s10 =	sld [smem:$0x3FBB];
	_ =	sdelay $0x3  }
0x37: {  	[smem:$0x3FBB] =	sst s10  }
0x38: {  	s10 =	sld [smem:$0x3FBC]  }
0x39: {  	_ = 	snop;
	(pc) =	sbr.ind lr, $3  }
0x3a: {  	_ = 	snop  }
0x3b: {  	_ = 	snop  }
0x3c: {  	p2 =	seq.s32 s10, $0x1;
	s10 =	sld [smem:$0x3FBB]  }
0x3d: {  	_ =	shalt  }
0x3e: {  	_ =	shalt  }
0x3f: {  	_ =	shalt  }
0x40: {  	_ =	shalt  }
0x41: {  	_ =	shalt  }
0x42: {  	_ =	shalt  }
0x43: {  	_ =	shalt  }
0x44: {  	_ =	shalt  }
0x45: {  	_ =	shalt  }
0x46: {  	_ =	shalt  }
0x47: {  	_ =	shalt  }
0x48: {  	_ =	shalt  }
0x49: {  	_ =	shalt  }
0x4a: {  	_ =	shalt  }
0x4b: {  	_ =	shalt  }
0x4c: {  	_ =	shalt  }
0x4d: {  	_ =	shalt  }
0x4e: {  	_ =	shalt  }
0x4f: {  	_ =	shalt  }
0x50: {  	_ =	shalt  }
0x51: {  	_ =	shalt  }
0x52: {  	_ =	shalt  }
0x53: {  	_ =	shalt  }
0x54: {  	_ =	shalt  }
0x55: {  	_ =	shalt  }
0x56: {  	_ =	shalt  }
0x57: {  	_ =	shalt  }
0x58: {  	_ =	shalt  }
0x59: {  	_ =	shalt  }
0x5a: {  	_ =	shalt  }
0x5b: {  	_ =	shalt  }
0x5c: {  	_ =	shalt  }
0x5d: {  	_ =	shalt  }
0x5e: {  	_ =	shalt  }
0x5f: {  	_ =	shalt  }
0x60: {  	_ =	shalt  }
0x61: {  	_ =	shalt  }
0x62: {  	_ =	shalt  }
0x63: {  	_ =	shalt  }
0x64: {  	_ =	shalt  }
0x65: {  	_ =	shalt  }
0x66: {  	_ =	shalt  }
0x67: {  	_ =	shalt  }
0x68: {  	_ =	shalt  }
0x69: {  	_ =	shalt  }
0x6a: {  	_ =	shalt  }
0x6b: {  	_ =	shalt  }
0x6c: {  	_ =	shalt  }
0x6d: {  	_ =	shalt  }
0x6e: {  	_ =	shalt  }
0x6f: {  	_ =	shalt  }
0x70: {  	_ =	shalt  }
0x71: {  	_ =	shalt  }
0x72: {  	_ =	shalt  }
0x73: {  	_ =	shalt  }
0x74: {  	_ =	shalt  }
0x75: {  	_ =	shalt  }
0x76: {  	_ =	shalt  }
0x77: {  	_ =	shalt  }
0x78: {  	_ =	shalt  }
0x79: {  	_ =	shalt  }
0x7a: {  	_ =	shalt  }
0x7b: {  	_ =	shalt  }
0x7c: {  	_ =	shalt  }
0x7d: {  	_ =	shalt  }
0x7e: {  	_ =	shalt  }
0x7f: {  	_ =	shalt  }
0x80: {  	_ =	shalt  }
0x81: {  	_ =	shalt  }
0x82: {  	_ =	shalt  }
0x83: {  	_ =	shalt  }
0x84: {  	_ =	shalt  }
0x85: {  	_ =	shalt  }
0x86: {  	_ =	shalt  }
0x87: {  	_ =	shalt  }
.Lfunc_end0:
.L_simem_size_0:
called_computation_lowered:
.L_overlay_start_0:
0x88: {  	s2 =	sld [smem:$0x3FD9]  }
0x89: {  	s3 =	sld [smem:$0x3FFE];
	_ =	sdelay $0x1  }
0x8a: {  	s1 =	srdreg.scid  }
0x8b: {  	s0 =	sand.u32 $0x1, s1  }
0x8c: {  	s14 =	sshll.u32 s0, $0xA;
	s2 =	sadd.s32 s3, s2  }
0x8d: {  	s2 =	sadd.s32 s2, s14  }
0x8e: {  	[smem:$0x3FC7] =	sst s2  }
0x8f: {  	_ = 	snop  }
0x90: {  	s2 =	sld [smem:$0x3FD0];
	_ =	sdelay $0x2  }
0x91: {  	s4 =	simm.s32 $0xA;
	s5 =	simm.s32 $0x10;
	s15 =	sld [smem:$0x3FC9]  }
0x92: {  	[smem:s5], [sflag:s4] =	dma.local [hbm:s2], $0x1  }
0x93: {  	_ =	swait.eq [sflag:s4], $0x1  }
0x94: {  	[sflag:s4] =	ssyncset.done $0x0  }
0x95: {  	[sflag:s4] =	ssyncadd.s32 $0xFFFFFFFF  }
0x96: {  	s16 =	sld [smem:$0x11];
	(tm) =	ssettm $0x1  }
0x97: {  	s17 =	sld [smem:$0x3FFB];
	_ =	sdelay $0x3  }
0x98: {  	_ =	strace s17  }
0x99: {  	s4 =	sld [smem:$0x3FFC];
	_ =	sdelay $0x3  }
0x9a: {  	_ =	strace s4  }
0x9b: {  	s4 =	sld [smem:$0x3FFD];
	_ =	sdelay $0x3  }
0x9c: {  	_ =	strace s4  }
0x9d: {  	_ =	strace $0x8FFFFFFF  }
0x9e: {  	s18 =	sld [smem:$0x3FDB];
	_ =	sdelay $0x1  }
0x9f: {  	s19 =	simm.s32 $_scs_section_size  }
0xa0: {  	s6 =	simm.s32 $_size__tile_overlayer_lowered;
	s7 =	simm.s32 $_tile_overlayer_lowered  }
0xa1: {  	s22 =	simm.s32 $0x1BFF;
	s21 =	sshll.u32 s7, $0x1;
	s4 =	sadd.s32 s19, s18  }
0xa2: {  	s8 =	simm.s32 $0x0;
	s20 =	sshll.u32 s6, $0x1;
	s6 =	sadd.s32 s21, s4  }
0xa3: {  	[timem:s8], [sflag:s22] =	dma.local [hbm:s6], s20  }
0xa4: {  	_ =	swait.ge [sflag:s22], s20  }
0xa5: {  	s5 =	ssub.s32 $0x0, s20;
	[sflag:s22] =	ssyncset.done $0x0  }
0xa6: {  	[sflag:s22] =	ssyncadd.s32 s5;
	_ =	sdelay $0x1  }
0xa7: {  	s23 =	simm.s32 $0x1B8B  }
0xa8: {  	_ =	swait.ge [sflag:s23], $0x1  }
0xa9: {  	[sflag:s23] =	ssyncset.done $0x0  }
0xaa: {  	s25 =	simm.s32 $0x1B8E;
	s24 =	sld [smem:$0x3FFE];
	[sflag:s23] =	ssyncadd.s32 $0xFFFFFFFF  }
0xab: {  	s26 =	simm.s32 $execute0_lowered;
	[smem:$0x3FD2] =	sst s25  }
0xac: {  	s6 =	sshll.u32 s26, $0x1;
	_ =	strace $0x80000046;
	[dreg:$0x1] =	wrdreg $0xFFFFFFFF  }
0xad: {  	s28 =	simm.s32 $_size_execute0_lowered;
	s4 =	sadd.s32 s4, s6;
	[dreg:$0x0] =	wrdreg $0x0  }
0xae: {  	s6 =	sshll.u32 s28, $0x1;
	[dreg:$0x2] =	wrdreg s4  }
0xaf: {  	[dreg:$0x3] =	wrdreg s6  }
0xb0: {  	[dreg:$0x4] =	wrdreg $0xC0  }
0xb1: {  	_ =	task [dreg:s8], $0x5FFFF  }
0xb2: {  	[dreg:$0x1] =	wrdreg $0xFFFFFFFF  }
0xb3: {  	[dreg:$0x0] =	wrdreg $0x60  }
0xb4: {  	[dreg:$0x2] =	wrdreg s15  }
0xb5: {  	[dreg:$0x3] =	wrdreg s16  }
0xb6: {  	[dreg:$0x4] =	wrdreg s24  }
0xb7: {  	[dreg:$0x5] =	wrdreg $0x9  }
0xb8: {  	_ =	task.clear_ibuf [dreg:s8], $0x6FFFF;
	_ =	strace $0x90000046  }
0xb9: {  	s29 =	simm.s32 $0x9;
	_ =	strace $0x80000048  }
0xba: {  	_ =	swait.ge [sflag:s29], $0x1  }
0xbb: {  	[sflag:s29] =	ssyncadd.s32 $0xFFFFFFFF  }
0xbc: {  	_ =	strace $0x90000048  }
0xbd: {  	_ =	sfence  }
0xbe: {  	s30 =	sld [smem:$0x0];
	_ =	sdelay $0x2  }
0xbf: {  	s31 =	sshll.u32 s1, $0xD;
	s1 =	sshrl.u32 s1, $0x2  }
0xc0: {  	s3 =	sand.u32 $0x4000, s31;
	s1 =	sadd.s32 s1, s30  }
0xc1: {  	s0 =	sor.u32 s3, s0;
	s1 =	sshll.u32 s1, $0x11  }
0xc2: {  	s0 =	sor.u32 s1, s0  }
0xc3: {  	s0 =	sadd.s32 $0x8F2B, s0  }
0xc4: {  	[sflag:s0] =	ssyncadd.remote.s32 $0x1  }
0xc5: {  	_ =	sfence.sel $0xFFFF  }
0xc6: {  	[dreg:$0x0] =	wrdreg $0xFFFFFFFF;
	(pc) =	sbr.abs _section_cstart, $3  }
0xc7: {  	[dreg:$0x1] =	wrdreg $0xFFFFFFFF  }
0xc8: {  	_ =	task.clear_ibuf [dreg:s8], $0x2FFFF;
	_ =	strace $0x9FFFFFFF  }
0xc9: {  	(tm) =	ssettm $0x7FFFFFFF  }
tec
execute0_lowered:
.L_overlay_start_1:
0x0: {  	(tag) =	ssettag $0x1  }
0x1: {  	s3 =	rddreg [dreg:$0x0]  }
0x2: {  	s7 =	rddreg [dreg:$0x1]  }
0x3: {  	s4 =	rddreg [dreg:$0x2]  }
0x4: {  	s0 =	rddreg [dreg:$0x3];
	s2 =	simm.s32 $0x0  }
0x5: {  	s5 =	srdreg.scid;
	s1 =	stileid.u32;
	s12 =	simm.s32 $0x8000  }
0x6: {  	s13 =	simm.s32 $0x1;
	s14 =	simm.s32 $0x2;
	s15 =	simm.s32 $0x10000  }
0x7: {  	s16 =	simm.s32 $0x3;
	s17 =	simm.s32 $0x10080;
	s18 =	simm.s32 $0x0  }
0x8: {  	[smem:$0x7FF] =	sst s2;
	s5 =	sand.u32 $0x1, s5;
	s6 =	sshll.u32 s1, $0x1  }
0x9: {  	s10 =	sshll.u32 s1, $0xF;
	_ =	strace $0x80000047;
	s8 =	ssub.s32 $0x2, s5  }
0xa: {  	v0 =	vlaneseq.u32;
	s9 =	sshll.u32 s5, $0x6;
	s11 =	sor.u32 s5, s6;
	s28 =	sshrl.u32 s8, $0x1  }
0xb: {  	vm0 =	vmmov $0x1;
	vm2 =	vcmask $0x300;
	vm3 =	vcmask $0x704;
	s29 =	sor.u32 s9, s10;
	s30 =	sadd.s32 s11, s4;
	s7 =	sadd.s32 s7, s11  }
0xc: {  	vm4 =	vcmask $0x720;
	vm5 =	vcmask $0xB20;
	vm6 =	vcmask $0xB08;
	s10 =	simm.s32 $0x80;
	s11 =	simm.s32 $0x400;
	s3 =	sadd.s32 s3, s29  }
0xd: {  	vm7 =	vcmask $0xF20;
	vm8 =	vcmask $0x1320;
	vm9 =	vcmask $0x1310;
	s31 =	ssub.s32 s8, s28;
	s8 =	sadd.s32 $0x800, s30;
	s4 =	sadd.s32 $0x10, s3  }
0xe: {  	vm10 =	vcmask $0x1720;
	vm11 =	vcmask $0x1B20;
	vm12 =	vcmask $0x1B18;
	s5 =	sadd.s32 $0x20, s3;
	s6 =	sadd.s32 $0x30, s3;
	s9 =	smax.u32 s31, $0x1  }
.LBB2_1:
0xf: {  	[tilespmem:s2], [sflag:$0x1] =	stream.strided.gather [hbm4b:s3+s10], $0x8000, s11, s10, $0x38;
	[tilespmem:$0x10100] =	vst v63  }
0x10: {  	_ = 	snop  }
0x11: {  	[tilespmem:s12], [sflag:$0x2] =	stream.strided.gather [hbm4b:s4+s10], $0x8000, s11, s10, $0x38;
	[tilespmem:$0x10100] =	vst v63  }
0x12: {  	_ =	swait.ge [sflag:s13], $0x8000  }
0x13: {  	[sflag:s13] =	ssyncset.done $0x0  }
0x14: {  	[sflag:s13] =	ssyncadd.s32 $0xFFFF8000  }
0x15: {  	v4 =	vld [tilespmem:s2+$0x0];
	_ =	sdelay $0x3  }
0x16: {  	v2 =	vimm.f32 $-Inf;
	v1 =	vimm.s32 $0x0;
	v5 =	vor.u32 s2, v0  }
0x17: {  	s19 =	simm.s32 $0x10;
	s20 =	simm.s32 $0x10;
	v3 =	vimm.f32 $-Inf;
	v6 =	vimm.s32 $0x0;
	vm13 =	vgt.f32 v4, v2  }
.LBB2_2:
0x18: {  	v7 =	vld [tilespmem:s20+$0x0];
	p0 =	sne.s32 s19, $0x7FF0;
	vm14 =	vgt.f32 v4, v2;
	v3 =	vsel vm13, v4, v3;
	v1 =	vsel vm13, v5, v1;
	s21 =	smov.u32 s19;
	s19 =	sadd.s32 $0x10, s19  }
.Ltmp0:
0x19: {  	v3 =	vsel vm14, v2, v3;
	v1 =	vsel vm14, v6, v1;
	v2 =	vsel vm14, v4, v2;
	(pc) =	sbr.rel @p0 .LBB2_2-.Ltmp0, $2  }
0x1a: {  	v6 =	vsel vm14, v5, v6;
	_ =	sdelay $0x2  }
0x1b: {  	s20 =	sadd.s32 $0x10, s20;
	v5 =	vor.u32 s21, v0;
	vm13 =	vgt.f32 v7, v3;
	v4 =	vmov v7  }
0x1c: {  	s19 =	simm.s32 $0x0  }
0x1d: {  	[tilespmem:s19], [sflag:$0x1] =	stream.strided.gather [hbm4b:s5+s10], $0x8000, s11, s10, $0x38;
	[tilespmem:$0x10100] =	vst v63  }
0x1e: {  	_ =	swait.ge [sflag:s14], $0x8000  }
0x1f: {  	[sflag:s14] =	ssyncset.done $0x0  }
0x20: {  	s20 =	simm.s32 $0x8000;
	[sflag:s14] =	ssyncadd.s32 $0xFFFF8000  }
0x21: {  	v7 =	vld [tilespmem:s20+$0x0]  }
0x22: {  	vm14 =	vgt.f32 v4, v2  }
0x23: {  	v3 =	vsel vm13, v4, v3;
	v1 =	vsel vm13, v5, v1;
	v11 =	vimm.f32 $-Inf  }
0x24: {  	v9 =	vimm.s32 $0x0;
	v3 =	vsel vm14, v2, v3;
	v1 =	vsel vm14, v6, v1  }
0x25: {  	v4 =	vsel vm14, v4, v2;
	v2 =	vsel vm14, v5, v6;
	v5 =	vimm.f32 $-Inf  }
0x26: {  	v6 =	vimm.s32 $0x0;
	v8 =	vor.u32 s19, v0;
	s19 =	simm.s32 $0x10;
	s20 =	simm.s32 $0x8010;
	vm13 =	vgt.f32 v7, v5  }
.LBB2_4:
0x27: {  	v10 =	vld [tilespmem:s20+$0x0];
	p0 =	sne.s32 s19, $0x7FF0;
	vm14 =	vgt.f32 v7, v5;
	v11 =	vsel vm13, v7, v11;
	v6 =	vsel vm13, v8, v6;
	s21 =	smov.u32 s19;
	s19 =	sadd.s32 $0x10, s19  }
.Ltmp1:
0x28: {  	v11 =	vsel vm14, v5, v11;
	v6 =	vsel vm14, v9, v6;
	v5 =	vsel vm14, v7, v5;
	(pc) =	sbr.rel @p0 .LBB2_4-.Ltmp1, $2  }
0x29: {  	v9 =	vsel vm14, v8, v9;
	_ =	sdelay $0x2  }
0x2a: {  	s20 =	sadd.s32 $0x10, s20;
	v8 =	vor.u32 s21, v0;
	vm13 =	vgt.f32 v10, v11;
	v7 =	vmov v10  }
0x2b: {  	[tilespmem:s12], [sflag:$0x2] =	stream.strided.gather [hbm4b:s6+s10], $0x8000, s11, s10, $0x38;
	[tilespmem:$0x10100] =	vst v63  }
0x2c: {  	_ =	swait.ge [sflag:s13], $0x8000  }
0x2d: {  	[sflag:s13] =	ssyncset.done $0x0  }
0x2e: {  	s19 =	simm.s32 $0x0;
	[sflag:s13] =	ssyncadd.s32 $0xFFFF8000  }
0x2f: {  	v10 =	vld [tilespmem:s19+$0x0]  }
0x30: {  	vm14 =	vgt.f32 v7, v5  }
0x31: {  	v11 =	vsel vm13, v7, v11;
	v6 =	vsel vm13, v8, v6;
	v14 =	vimm.s32 $0x0  }
0x32: {  	v15 =	vimm.f32 $-Inf;
	v12 =	vsel vm14, v5, v11;
	v6 =	vsel vm14, v9, v6  }
0x33: {  	v13 =	vsel vm14, v7, v5;
	v9 =	vsel vm14, v8, v9;
	v5 =	vimm.f32 $-Inf  }
0x34: {  	s20 =	simm.s32 $0x10;
	v7 =	vor.u32 s19, v0;
	v11 =	vimm.s32 $0x0;
	s19 =	simm.s32 $0x10;
	vm13 =	vgt.f32 v10, v5  }
.LBB2_6:
0x35: {  	v8 =	vld [tilespmem:s20+$0x0];
	p0 =	sne.s32 s19, $0x7FF0;
	vm14 =	vgt.f32 v10, v5;
	v15 =	vsel vm13, v10, v15;
	v14 =	vsel vm13, v7, v14;
	s21 =	smov.u32 s19;
	s19 =	sadd.s32 $0x10, s19  }
.Ltmp2:
0x36: {  	v15 =	vsel vm14, v5, v15;
	v14 =	vsel vm14, v11, v14;
	v5 =	vsel vm14, v10, v5;
	(pc) =	sbr.rel @p0 .LBB2_6-.Ltmp2, $2  }
0x37: {  	v11 =	vsel vm14, v7, v11;
	_ =	sdelay $0x2  }
0x38: {  	s20 =	sadd.s32 $0x10, s20;
	v7 =	vor.u32 s21, v0;
	vm13 =	vgt.f32 v8, v15;
	v10 =	vmov v8  }
0x39: {  	_ =	swait.ge [sflag:s14], $0x8000  }
0x3a: {  	[sflag:s14] =	ssyncset.done $0x0  }
0x3b: {  	s19 =	simm.s32 $0x8000;
	[sflag:s14] =	ssyncadd.s32 $0xFFFF8000  }
0x3c: {  	v8 =	vld [tilespmem:s19+$0x0]  }
0x3d: {  	vm14 =	vgt.f32 v10, v5;
	v15 =	vsel vm13, v10, v15  }
0x3e: {  	v14 =	vsel vm13, v7, v14;
	v17 =	vsel vm14, v5, v15  }
0x3f: {  	s31 =	simm.s32 $0x0;
	v15 =	vsel vm14, v11, v14;
	v18 =	vsel vm14, v10, v5;
	v16 =	vsel vm14, v7, v11  }
0x40: {  	v5 =	vimm.f32 $-Inf;
	v11 =	vimm.s32 $0x0;
	v10 =	vor.u32 s31, v0  }
0x41: {  	s20 =	simm.s32 $0x8010;
	v14 =	vimm.f32 $-Inf;
	v7 =	vimm.s32 $0x0;
	s19 =	simm.s32 $0x10;
	vm13 =	vgt.f32 v8, v5  }
.LBB2_8:
0x42: {  	v19 =	vld [tilespmem:s20+$0x0];
	p0 =	sne.s32 s19, $0x7FF0;
	vm14 =	vgt.f32 v8, v5;
	v14 =	vsel vm13, v8, v14;
	v11 =	vsel vm13, v10, v11;
	s21 =	smov.u32 s19;
	s19 =	sadd.s32 $0x10, s19  }
.Ltmp3:
0x43: {  	v14 =	vsel vm14, v5, v14;
	v11 =	vsel vm14, v7, v11;
	v5 =	vsel vm14, v8, v5;
	(pc) =	sbr.rel @p0 .LBB2_8-.Ltmp3, $2  }
0x44: {  	v7 =	vsel vm14, v10, v7;
	_ =	sdelay $0x2  }
0x45: {  	s20 =	sadd.s32 $0x10, s20;
	v10 =	vor.u32 s21, v0;
	vm13 =	vgt.f32 v19, v14;
	v8 =	vmov v19  }
0x46: {  	(xrf0) =	vmax.scan.msk.f32 $0xffff, v4;
	_ =	sdelay $0x5  }
0x47: {  	v19, _, _ =	vpop (xrf0)  }
0x48: {  	v19 =	vbroadcast v19, $0xF;
	_ =	sdelay $0x1  }
0x49: {  	v20 =	vxor.u32 $0x80000000, v2;
	vm14 =	veq.f32 v4, v19  }
0x4a: {  	v20 =	vnsel vm14, $0xFFFFFFFF, v20  }
0x4b: {  	(xrf0) =	vmin.scan.msk.u32 $0xffff, v20;
	_ =	sdelay $0x5  }
0x4c: {  	v20, _, _ =	vpop (xrf0)  }
0x4d: {  	(v2sf) =	vpush v20, $0xF;
	_ =	sdelay $0xe  }
0x4e: {  	s19 =	spop (v2sf)  }
0x4f: {  	s19 =	sxor.u32 $0x80000000, s19  }
0x50: {  	vm15 =	veq.s32 v2, s19  }
0x51: {  	vm14 =	vmand vm14, vm15  }
0x52: {  	v3 =	vsel vm14, v3, v4  }
0x53: {  	(xrf0) =	vmax.scan.msk.f32 $0xffff, v3;
	_ =	sdelay $0x5  }
0x54: {  	v51, _, _ =	vpop (xrf0)  }
0x55: {  	v4 =	vbroadcast v51, $0xF  }
0x56: {  	v1 =	vsel vm14, v1, v2  }
0x57: {  	v1 =	vxor.u32 $0x80000000, v1;
	vm14 =	veq.f32 v3, v4  }
0x58: {  	v1 =	vnsel vm14, $0xFFFFFFFF, v1  }
0x59: {  	(xrf0) =	vmin.scan.msk.u32 $0xffff, v1  }
0x5a: {  	(xrf0) =	vmax.scan.msk.f32 $0xffff, v13;
	_ =	sdelay $0x4  }
0x5b: {  	v1, _, _ =	vpop (xrf0)  }
0x5c: {  	v2, _, _ =	vpop (xrf0)  }
0x5d: {  	v2 =	vbroadcast v2, $0xF;
	_ =	sdelay $0x1  }
0x5e: {  	v3 =	vxor.u32 $0x80000000, v9;
	vm14 =	veq.f32 v13, v2  }
0x5f: {  	v3 =	vnsel vm14, $0xFFFFFFFF, v3  }
0x60: {  	(xrf0) =	vmin.scan.msk.u32 $0xffff, v3;
	_ =	sdelay $0x5  }
0x61: {  	(v2sf) =	vpush v1, $0xF;
	v1, _, _ =	vpop (xrf0)  }
0x62: {  	(v2sf) =	vpush v1, $0xF;
	_ =	sdelay $0xd  }
0x63: {  	s21 =	spop (v2sf)  }
0x64: {  	s20 =	spop (v2sf)  }
0x65: {  	s20 =	sxor.u32 $0x80000000, s20  }
0x66: {  	vm15 =	veq.s32 v9, s20  }
0x67: {  	vm14 =	vmand vm14, vm15  }
0x68: {  	v1 =	vsel vm14, v12, v13  }
0x69: {  	(xrf0) =	vmax.scan.msk.f32 $0xffff, v1;
	_ =	sdelay $0x5  }
0x6a: {  	v3, _, _ =	vpop (xrf0)  }
0x6b: {  	v3 =	vbroadcast v3, $0xF  }
0x6c: {  	v6 =	vsel vm14, v6, v9  }
0x6d: {  	vm14 =	veq.f32 v1, v3;
	v1 =	vxor.u32 $0x80000000, v6  }
0x6e: {  	v1 =	vnsel vm14, $0xFFFFFFFF, v1  }
0x6f: {  	(xrf0) =	vmin.scan.msk.u32 $0xffff, v1  }
0x70: {  	(xrf0) =	vmax.scan.msk.f32 $0xffff, v18;
	_ =	sdelay $0x4  }
0x71: {  	v1, _, _ =	vpop (xrf0)  }
0x72: {  	v52, _, _ =	vpop (xrf0)  }
0x73: {  	v6 =	vbroadcast v52, $0xF;
	_ =	sdelay $0x1  }
0x74: {  	v53 =	vxor.u32 $0x80000000, v16;
	vm14 =	veq.f32 v18, v6  }
0x75: {  	v9 =	vnsel vm14, $0xFFFFFFFF, v53  }
0x76: {  	(xrf0) =	vmin.scan.msk.u32 $0xffff, v9;
	_ =	sdelay $0x5  }
0x77: {  	(v2sf) =	vpush v1, $0xF;
	v1, _, _ =	vpop (xrf0)  }
0x78: {  	(v2sf) =	vpush v1, $0xF;
	_ =	sdelay $0xd  }
0x79: {  	s22 =	spop (v2sf)  }
0x7a: {  	s23 =	spop (v2sf)  }
0x7b: {  	s23 =	sxor.u32 $0x80000000, s23  }
0x7c: {  	vm15 =	veq.s32 v16, s23  }
0x7d: {  	vm14 =	vmand vm14, vm15  }
0x7e: {  	v1 =	vsel vm14, v17, v18  }
0x7f: {  	(xrf0) =	vmax.scan.msk.f32 $0xffff, v1;
	_ =	sdelay $0x5  }
0x80: {  	v54, _, _ =	vpop (xrf0)  }
0x81: {  	v9 =	vbroadcast v54, $0xF  }
0x82: {  	v55 =	vsel vm14, v15, v16  }
0x83: {  	vm14 =	veq.f32 v1, v9;
	v1 =	vxor.u32 $0x80000000, v55  }
0x84: {  	vm15 =	vgt.f32 v8, v5;
	v1 =	vnsel vm14, $0xFFFFFFFF, v1  }
0x85: {  	v56 =	vsel vm15, v8, v5;
	(xrf0) =	vmin.scan.msk.u32 $0xffff, v1  }
0x86: {  	(xrf0) =	vmax.scan.msk.f32 $0xffff, v56;
	_ =	sdelay $0x4  }
0x87: {  	v1, _, _ =	vpop (xrf0)  }
0x88: {  	v57, _, _ =	vpop (xrf0)  }
0x89: {  	v13 =	vbroadcast v57, $0xF  }
0x8a: {  	v58 =	vsel vm15, v10, v7  }
0x8b: {  	v59 =	vxor.u32 $0x80000000, v58;
	vm14 =	veq.f32 v56, v13  }
0x8c: {  	v16 =	vnsel vm14, $0xFFFFFFFF, v59  }
0x8d: {  	(xrf0) =	vmin.scan.msk.u32 $0xffff, v16;
	_ =	sdelay $0x5  }
0x8e: {  	(v2sf) =	vpush v1, $0xF;
	v1, _, _ =	vpop (xrf0)  }
0x8f: {  	(v2sf) =	vpush v1, $0xF;
	_ =	sdelay $0xd  }
0x90: {  	s24 =	spop (v2sf)  }
0x91: {  	s25 =	spop (v2sf)  }
0x92: {  	s25 =	sxor.u32 $0x80000000, s25  }
0x93: {  	v1 =	vsel vm13, v8, v14;
	vm1 =	veq.s32 v58, s25  }
0x94: {  	v1 =	vsel vm15, v5, v1;
	vm1 =	vmand vm14, vm1  }
0x95: {  	v1 =	vsel vm1, v1, v56  }
0x96: {  	(xrf0) =	vmax.scan.msk.f32 $0xffff, v1;
	_ =	sdelay $0x5  }
0x97: {  	v60 =	vsel vm13, v10, v11;
	v61, _, _ =	vpop (xrf0)  }
0x98: {  	v5 =	vsel vm15, v7, v60;
	v62 =	vbroadcast v61, $0xF  }
0x99: {  	v5 =	vsel vm1, v5, v58  }
0x9a: {  	vm1 =	veq.f32 v1, v62;
	v1 =	vxor.u32 $0x80000000, v5  }
0x9b: {  	v1 =	vnsel vm1, $0xFFFFFFFF, v1  }
0x9c: {  	(xrf0) =	vmin.scan.msk.u32 $0xffff, v1;
	_ =	sdelay $0x5  }
0x9d: {  	v1, _, _ =	vpop (xrf0)  }
0x9e: {  	(v2sf) =	vpush v1, $0xF;
	_ =	sdelay $0x8  }
0x9f: {  	v63 =	vnsel vm0, $0x0, v19;
	vm1 =	vcmask $0x320;
	v1 =	vmov s19  }
0xa0: {  	s28 =	sxor.u32 $0x80000000, s21;
	v4 =	vsel vm1, v63, v4;
	v1 =	vnsel vm2, $0x0, v1  }
0xa1: {  	v2 =	vsel vm4, v4, v2;
	v1 =	vsel vm3, s28, v1  }
0xa2: {  	s29 =	sxor.u32 $0x80000000, s22;
	vm1 =	veq.s32 v0, $0x3;
	v2 =	vsel vm5, v2, v3;
	v1 =	vsel vm6, s20, v1  }
0xa3: {  	v2 =	vsel vm7, v2, v6;
	v1 =	vsel vm1, s29, v1  }
0xa4: {  	s30 =	sxor.u32 $0x80000000, s24;
	v2 =	vsel vm8, v2, v9;
	vm1 =	veq.s32 v0, $0x5;
	v1 =	vsel vm9, s23, v1  }
0xa5: {  	v2 =	vsel vm10, v2, v13;
	v1 =	vsel vm1, s30, v1;
	s31 =	spop (v2sf)  }
0xa6: {  	v2 =	vsel vm11, v2, v62;
	vm1 =	veq.s32 v0, $0x7;
	v1 =	vsel vm12, s25, v1;
	s19 =	sxor.u32 $0x80000000, s31  }
0xa7: {  	[tilespmem:$0x10000] =	vst v2;
	v1 =	vsel vm1, s19, v1  }
0xa8: {  	[tilespmem:$0x10080] =	vst v1  }
0xa9: {  	[hbm4b:s7+s2] =	stream.linear.scatter [tilespmem:s15], [sflag:$0x3], $0x8, $0x38;
	[tilespmem:$0x10100] =	vst v63  }
0xaa: {  	s18 =	sadd.s32 $0x1, s18;
	_ =	swait.ge [sflag:s16], $0x8  }
0xab: {  	p0 =	sne.s32 s18, s9;
	[sflag:s16] =	ssyncset.done $0x0  }
.Ltmp4:
0xac: {  	[sflag:s16] =	ssyncadd.s32 $0xFFFFFFF8;
	(pc) =	sbr.rel @p0 .LBB2_1-.Ltmp4, $4  }
0xad: {  	[hbm4b:s8+s2] =	stream.linear.scatter [tilespmem:s17], [sflag:$0x3], $0x8, $0x38;
	[tilespmem:$0x10100] =	vst v63  }
0xae: {  	_ =	swait.ge [sflag:s16], $0x8  }
0xaf: {  	[sflag:s16] =	ssyncset.done $0x0  }
0xb0: {  	[sflag:s16] =	ssyncadd.s32 $0xFFFFFFF8  }
0xb1: {  	_ =	sfence.sel $0x180000  }
0xb2: {  	[bflag:$0x0] =	sbarrier.arrive $0xFFFF  }
0xb3: {  	p0 =	sne.s32 s1, $0x0;
	_ =	strace $0x90000047  }
0xb4: {  	s0 =	sadd.s32 @!p0 $0x100000, s0;
	[bflag:$0x2] =	sbarrier.arrive $0xFFFF  }
0xb5: {  	[sflag:s0] =	ssyncadd.tile.s32 @!p0 $0x1;
	_ =	shalt  }
.Lfunc_end2:
_tile_overlayer_lowered:
.L_overlay_start_2:
0xb6: {  	(tag) =	ssettag $0x2  }
0xb7: {  	s0 =	rddreg [dreg:$0x0];
	s2 =	stileid.u32  }
0xb8: {  	s1 =	rddreg [dreg:$0x1];
	p0 =	sne.s32 s2, $0x0  }
0xb9: {  	s3 =	rddreg [dreg:$0x2];
	[bflag:$0x3] =	sbarrier.arrive $0xFFFF;
	s2 =	simm.s32 @!p0 $0x1C03  }
0xba: {  	[timem:s3], [sflag:s2] =	dma.local @!p0 [hbm:s0], s1  }
0xbb: {  	s0 =	simm.s32 @!p0 $0x3  }
0xbc: {  	_ =	swait.ge @!p0 [sflag:s0], s1  }
0xbd: {  	s1 =	ssub.s32 @!p0 $0x0, s1;
	[sflag:s0] =	ssyncset.done @!p0 $0x0  }
0xbe: {  	[sflag:s0] =	ssyncadd.s32 @!p0 s1  }
0xbf: {  	[bflag:$0x3] =	sbarrier.arrive $0xFFFF  }
0xc0: {  	_ =	shalt  }

</sc_bundles>
